<compile_context>
chip_gen: v7x
topology: tpu7x:2x2x1
jax: 0.10.2.dev20260603
libtpu: 0.0.44.dev20260713+nightly
codegen_flags: <defaults>
</compile_context>

<pallas_src>
import functools

import jax
import jax.numpy as jnp
import numpy as np
from jax import lax
from jax.experimental import pallas as pl
from jax.experimental.pallas import tpu as pltpu
from jax.experimental.pallas import tpu_sc as plsc

B, H, D, K = 2048, 4, 16, 8192
N = B * H
NCH = 16
IP_IDX = (0, 2, 3, 4, 8, 9, 10)
G_OF_B = (0, 1, 1, 1, 1, 2, 2, 2, 2, 2, 2, 3, 3, 3, 3, 4)
NF = 12 * D

_S_IP = np.zeros((D * NCH, 7 * D), np.float32)
for _d in range(D):
    for _c, _ch in enumerate(IP_IDX):
        _S_IP[_d * NCH + _ch, _d * 7 + _c] = 1.0

_COMBOS = ((0, 0), (1, 1), (2, 2), (3, 3), (0, 3), (1, 3), (2, 3))
_BBLK_Q = np.zeros((7 * D, 5 * D), np.float32)
_BBLK_K = np.zeros((7 * D, 5 * D), np.float32)
for _d in range(D):
    for _i, (_a, _b) in enumerate(_COMBOS):
        _r = _i * D + _d
        if _a == _b and _a < 3:
            _BBLK_Q[_r, _d * 5 + 0] = 1.0
            _BBLK_K[_r, _d * 5 + 1] = -1.0
        elif _a == 3 and _b == 3:
            _BBLK_Q[_r, _d * 5 + 1] = 1.0
            _BBLK_K[_r, _d * 5 + 0] = -1.0
        else:
            _BBLK_Q[_r, _d * 5 + 2 + _a] = 1.0
            _BBLK_K[_r, _d * 5 + 2 + _a] = 2.0


def _tri_pcat(t0, t1, t2, t3):
    s = t3 / (t3 * t3 + 1e-3)
    r0, r1, r2, r3 = t0 * s, t1 * s, t2 * s, t3 * s
    r = (r0, r1, r2, r3)
    return jnp.concatenate([r[a] * r[b] for a, b in _COMBOS], axis=-1)


def _q_kernel(xf_ref, xtri_ref, sip_ref, bblk_ref, q_ref):
    q_ref[:, 0:112] = lax.dot_general(
        xf_ref[...], sip_ref[...], (((1,), (0,)), ((), ())),
        preferred_element_type=jnp.float32)
    pcat = _tri_pcat(xtri_ref[0], xtri_ref[1], xtri_ref[2], xtri_ref[3])
    q_ref[:, 112:192] = lax.dot_general(
        pcat, bblk_ref[...], (((1,), (0,)), ((), ())),
        preferred_element_type=jnp.float32)


def _kk_kernel(cflat_ref, ctri_ref, wbig_ref, w_ref, sip_ref, bblk_ref,
               eflat_ref, kk_ref):
    ef = lax.dot_general(
        cflat_ref[...], wbig_ref[...], (((1,), (0,)), ((), ())),
        preferred_element_type=jnp.float32)
    eflat_ref[...] = ef
    kk_ref[:, 0:112] = lax.dot_general(
        ef, sip_ref[...], (((1,), (0,)), ((), ())),
        preferred_element_type=jnp.float32)
    et = [
        lax.dot_general(ctri_ref[c], w_ref[3], (((1,), (1,)), ((), ())),
                        preferred_element_type=jnp.float32)
        for c in range(4)
    ]
    pcat = _tri_pcat(et[0], et[1], et[2], et[3])
    kk_ref[:, 112:192] = lax.dot_general(
        pcat, bblk_ref[...], (((1,), (0,)), ((), ())),
        preferred_element_type=jnp.float32)


def _dist_argmax_kernel(q_ref, kk_ref, idx_ref, m_scr, i_scr, *, rb, kb, nkb):
    j = pl.program_id(1)
    dist = lax.dot_general(
        q_ref[...], kk_ref[...], (((1,), (1,)), ((), ())),
        preferred_element_type=jnp.float32)
    m_loc = jnp.max(dist, axis=1, keepdims=True)
    iota = lax.broadcasted_iota(jnp.int32, (rb, kb), 1) + j * kb
    cand = jnp.where(dist == m_loc, iota, jnp.int32(K))
    i_loc = jnp.min(cand, axis=1, keepdims=True)

    @pl.when(j == 0)
    def _():
        m_scr[...] = m_loc
        i_scr[...] = i_loc

    @pl.when(j > 0)
    def _():
        better = m_loc > m_scr[...]
        m_scr[...] = jnp.where(better, m_loc, m_scr[...])
        i_scr[...] = jnp.where(better, i_loc, i_scr[...])

    @pl.when(j == nkb - 1)
    def _():
        idx_ref[...] = i_scr[...]


_SC_NC, _SC_NS = 2, 16
_SC_NW = _SC_NC * _SC_NS
_B_PER_W = N // _SC_NW
_IDX_CHUNK = 128


def _sc_gather_kernel(table_hbm, idx_hbm, out_hbm, out2_hbm, idx_v, rows_v,
                      sem):
    wid = lax.axis_index("s") * _SC_NC + lax.axis_index("c")
    base = wid * _B_PER_W
    pltpu.sync_copy(idx_hbm.at[pl.ds(base, _B_PER_W)], idx_v)
    for j in range(_B_PER_W // _IDX_CHUNK):
        pltpu.async_copy(
            table_hbm.at[idx_v.at[pl.ds(j * _IDX_CHUNK, _IDX_CHUNK)]],
            rows_v.at[pl.ds(j * _IDX_CHUNK, _IDX_CHUNK)], sem).wait()
    pltpu.sync_copy(rows_v, out_hbm.at[pl.ds(base, _B_PER_W)])
    pltpu.sync_copy(rows_v, out2_hbm.at[pl.ds(base, _B_PER_W)])


def _sc_gather(table, idx):
    mesh = plsc.VectorSubcoreMesh(core_axis_name="c", subcore_axis_name="s")
    return pl.kernel(
        _sc_gather_kernel,
        out_type=[
            jax.ShapeDtypeStruct((N, D * NCH), jnp.float32),
            jax.ShapeDtypeStruct((N, D * NCH), jnp.float32),
        ],
        mesh=mesh,
        scratch_types=[
            pltpu.VMEM((_B_PER_W,), jnp.int32),
            pltpu.VMEM((_B_PER_W, D * NCH), jnp.float32),
            pltpu.SemaphoreType.DMA,
        ],
    )(table, idx)


def kernel(x, codebook, W_equi):
    f32 = jnp.float32
    x_flat = x.reshape(N, D, NCH)
    xf = x_flat.reshape(N, D * NCH)
    xtri = x_flat[:, :, 11:15].transpose(2, 0, 1)
    c_flat = codebook.reshape(K, D * NCH)
    ctri = codebook[:, :, 11:15].transpose(2, 0, 1)

    wsel = W_equi[np.array(G_OF_B)]
    vals = wsel.transpose(2, 0, 1)
    ii, bb_, oo = np.meshgrid(np.arange(D), np.arange(NCH), np.arange(D),
                              indexing="ij")
    wbig = jnp.zeros((D * NCH, D * NCH), f32).at[
        ii * NCH + bb_, oo * NCH + bb_].set(vals)

    s_ip = jnp.asarray(_S_IP)
    bblk_q = jnp.asarray(_BBLK_Q)
    bblk_k = jnp.asarray(_BBLK_K)

    nb_q = 8
    q = pl.pallas_call(
        _q_kernel,
        grid=(nb_q,),
        in_specs=[
            pl.BlockSpec((N // nb_q, D * NCH), lambda i: (i, 0)),
            pl.BlockSpec((4, N // nb_q, D), lambda i: (0, i, 0)),
            pl.BlockSpec((D * NCH, 7 * D), lambda i: (0, 0)),
            pl.BlockSpec((7 * D, 5 * D), lambda i: (0, 0)),
        ],
        out_specs=pl.BlockSpec((N // nb_q, NF), lambda i: (i, 0)),
        out_shape=jax.ShapeDtypeStruct((N, NF), f32),
    )(xf, xtri, s_ip, bblk_q)

    nb_k = 8
    e_flat, kk = pl.pallas_call(
        _kk_kernel,
        grid=(nb_k,),
        in_specs=[
            pl.BlockSpec((K // nb_k, D * NCH), lambda i: (i, 0)),
            pl.BlockSpec((4, K // nb_k, D), lambda i: (0, i, 0)),
            pl.BlockSpec((D * NCH, D * NCH), lambda i: (0, 0)),
            pl.BlockSpec((5, D, D), lambda i: (0, 0, 0)),
            pl.BlockSpec((D * NCH, 7 * D), lambda i: (0, 0)),
            pl.BlockSpec((7 * D, 5 * D), lambda i: (0, 0)),
        ],
        out_specs=[
            pl.BlockSpec((K // nb_k, D * NCH), lambda i: (i, 0)),
            pl.BlockSpec((K // nb_k, NF), lambda i: (i, 0)),
        ],
        out_shape=[
            jax.ShapeDtypeStruct((K, D * NCH), f32),
            jax.ShapeDtypeStruct((K, NF), f32),
        ],
    )(c_flat, ctri, wbig, W_equi, s_ip, bblk_k)

    rb, kb = 512, 2048
    nrb, nkb = N // rb, K // kb
    idx2 = pl.pallas_call(
        functools.partial(_dist_argmax_kernel, rb=rb, kb=kb, nkb=nkb),
        grid=(nrb, nkb),
        in_specs=[
            pl.BlockSpec((rb, NF), lambda i, j: (i, 0)),
            pl.BlockSpec((kb, NF), lambda i, j: (j, 0)),
        ],
        out_specs=pl.BlockSpec((rb, 1), lambda i, j: (i, 0)),
        out_shape=jax.ShapeDtypeStruct((N, 1), jnp.int32),
        scratch_shapes=[
            pltpu.VMEM((rb, 1), jnp.float32),
            pltpu.VMEM((rb, 1), jnp.int32),
        ],
        compiler_params=pltpu.CompilerParams(
            dimension_semantics=("parallel", "arbitrary")),
    )(q, kk)

    e_sel, e_sel2 = _sc_gather(e_flat, idx2.reshape(N))
    e_out = e_sel.reshape(B, H, D, NCH).reshape(B, H * D, NCH)
    st = e_sel2.reshape(B, H, D, NCH).reshape(B, H * D, NCH)
    return (e_out, st)

# --- scband reference (transcript-rebuilt; emitter-appended) ---
"""Pipeline reference for scband-face-token-vq-5712306503811 (READ-ONLY COPY).

The authoritative reference and input builder live on the scoring server;
editing this copy changes nothing except your own understanding.
"""

import jax, jax.numpy as jnp
import numpy as np

B, H, D, K = 2048, 4, 16, 8192
GRADES = [[0], [1, 2, 3, 4], [5, 6, 7, 8, 9, 10], [11, 12, 13, 14], [15]]
IP_IDX = np.array([0, 2, 3, 4, 8, 9, 10])
TV_IDX = np.array([11, 12, 13, 14])

def _qk_basis():
    bq = np.zeros((4, 4, 5), np.float32)
    bk = np.zeros((4, 4, 5), np.float32)
    r3 = np.arange(3)
    bq[r3, r3, 0] = 1.0
    bk[3, 3, 0] = -1.0
    bq[3, 3, 1] = 1.0
    bk[r3, r3, 1] = -1.0
    bq[r3, 3, r3 + 2] = 1.0
    bk[r3, 3, r3 + 2] = 2.0
    return jnp.asarray(bq), jnp.asarray(bk)

def _equi_linear(W, mv):
    out = jnp.zeros(mv.shape[:-2] + (W.shape[1], mv.shape[-1]), mv.dtype)
    for g, idx in enumerate(GRADES):
        idx = jnp.array(idx)
        out = out.at[..., idx].set(jnp.einsum('oi,...ib->...ob', W[g], mv[..., idx]))
    return out

def _ip_elem(t):
    sel = t[..., jnp.asarray(IP_IDX)]
    return sel.reshape(sel.shape[:-2] + (sel.shape[-2] * sel.shape[-1],))

def _da_elem(t, basis):
    tri = t[..., jnp.asarray(TV_IDX)]
    e123 = tri[..., 3:4]
    ret = tri * (e123 / (e123 ** 2 + 1e-3))
    r = jnp.einsum('ijk,...i,...j->...k', basis, ret, ret)
    return r.reshape(r.shape[:-2] + (r.shape[-2] * r.shape[-1],))

def setup_inputs(seed: int = 0) -> dict:
    key = jax.random.key(seed)
    k1, k2, k3 = jax.random.split(key, 3)
    x = jax.random.normal(k1, (B, H * D, 16), dtype=jnp.float32)
    codebook = jax.random.normal(k2, (K, D, 16), dtype=jnp.float32)
    W_equi = jax.random.normal(k3, (5, D, D), dtype=jnp.float32) / np.sqrt(D)
    return {"x": x, "codebook": codebook, "W_equi": W_equi}

def reference(x, codebook, W_equi):
    bq, bk = _qk_basis()
    x_flat = x.reshape(B, H, D, 16).reshape(B * H, D, 16)
    e = _equi_linear(W_equi, codebook)
    q = jnp.concatenate([_ip_elem(x_flat), _da_elem(x_flat, bq)], axis=-1)
    kk = jnp.concatenate([_ip_elem(e), _da_elem(e, bk)], axis=-1)
    dist = q @ kk.T
    i = jnp.argmax(dist, axis=-1)
    e_sel = e[i]
    e_out = e_sel.reshape(B, H, D, 16).reshape(B, H * D, 16)
    st = jax.lax.stop_gradient(e_out - x) + x
    return (e_out, st)

if __name__ == "__main__":
    import jax
    _d = setup_inputs()
    print(jax.jit(kernel)(*tuple(_d.values())))

</pallas_src>

<mosaic_0001>
#map = affine_map<(d0, d1) -> (0, 0)>
#map1 = affine_map<(d0, d1) -> (0)>
module attributes {stable_mosaic.version = 14 : i64} {
  func.func @_sc_gather_kernel(%arg0: i32, %arg1: i32, %arg2: memref<8192x256xf32, #tpu.memory_space<hbm>>, %arg3: memref<8192xi32, #tpu.memory_space<hbm>>, %arg4: memref<8192x256xf32, #tpu.memory_space<hbm>>, %arg5: memref<8192x256xf32, #tpu.memory_space<hbm>>, %arg6: memref<256xi32, #tpu.memory_space<vmem>>, %arg7: memref<256x256xf32, #tpu.memory_space<vmem>>, %arg8: memref<!tpu.dma_semaphore, #tpu.memory_space<semaphore_mem>>) attributes {dimension_semantics = [#tpu.dimension_semantics<core_parallel>, #tpu.dimension_semantics<subcore_parallel>], iteration_bounds = array<i64: 2, 16>, scalar_prefetch = 0 : i64, scratch_operands = 3 : i64, tpu.core_type = #tpu.core_type<sc_vector_subcore>, window_params = [{transform_indices = #map}, {transform_indices = #map1}, {transform_indices = #map}, {transform_indices = #map}]} {
    %mul3A = arith.constant 2 : i32
    %mul3A_0 = arith.muli %arg1, %mul3A : i32
    %add3A = arith.addi %mul3A_0, %arg0 : i32
    %mul3A_1 = arith.constant 256 : i32
    %mul3A_2 = arith.muli %add3A, %mul3A_1 : i32
    "tpu.region"() ({
      %run_scoped3A = tpu.sem_alloc : memref<!tpu.dma_semaphore, #tpu.memory_space<semaphore_mem>>
      %dma_start3A_33 = tpu.memref_slice %arg3[%mul3A_2] : memref<8192xi32, #tpu.memory_space<hbm>> -> memref<256xi32, #tpu.memory_space<hbm>>
      %dma_start3A_34 = tpu.memref_slice %arg3[%mul3A_2] : memref<8192xi32, #tpu.memory_space<hbm>> -> memref<256xi32, #tpu.memory_space<hbm>>
      tpu.enqueue_dma source(%dma_start3A_34 : memref<256xi32, #tpu.memory_space<hbm>>) target(%arg6 : memref<256xi32, #tpu.memory_space<vmem>>) target_semaphore(%run_scoped3A : memref<!tpu.dma_semaphore, #tpu.memory_space<semaphore_mem>>)
      %dma_wait3A_35 = tpu.memref_slice %arg3[%mul3A_2] : memref<8192xi32, #tpu.memory_space<hbm>> -> memref<256xi32, #tpu.memory_space<hbm>>
      %dma_wait3A_36 = tpu.memref_slice %arg3[%mul3A_2] : memref<8192xi32, #tpu.memory_space<hbm>> -> memref<256xi32, #tpu.memory_space<hbm>>
      tpu.wait_dma2 semaphore(%run_scoped3A : memref<!tpu.dma_semaphore, #tpu.memory_space<semaphore_mem>>) src(%dma_wait3A_36 : memref<256xi32, #tpu.memory_space<hbm>>) dst(%arg6 : memref<256xi32, #tpu.memory_space<vmem>>)
      tpu.yield
    }) : () -> ()
    %dma_start3A = arith.constant 0 : i32
    %dma_start3A_3 = arith.constant 0 : i32
    %dma_start3A_4 = tpu.memref_slice %arg7[%dma_start3A, %dma_start3A_3] : memref<256x256xf32, #tpu.memory_space<vmem>> -> memref<128x256xf32, #tpu.memory_space<vmem>>
    %dma_start3A_5 = arith.constant 0 : i32
    %dma_start3A_6 = tpu.memref_slice %arg6[%dma_start3A_5] : memref<256xi32, #tpu.memory_space<vmem>> -> memref<128xi32, #tpu.memory_space<vmem>>
    %dma_start3A_7 = arith.constant 0 : i32
    %dma_start3A_8 = arith.constant 0 : i32
    %dma_start3A_9 = tpu.memref_slice %arg2[%dma_start3A_7, %dma_start3A_8] : memref<8192x256xf32, #tpu.memory_space<hbm>> -> memref<8192x256xf32, #tpu.memory_space<hbm>>
    tpu.enqueue_indirect_dma source(%dma_start3A_9 : memref<8192x256xf32, #tpu.memory_space<hbm>>) target(%dma_start3A_4 : memref<128x256xf32, #tpu.memory_space<vmem>>) offsets(%dma_start3A_6 : memref<128xi32, #tpu.memory_space<vmem>>) semaphore(%arg8 : memref<!tpu.dma_semaphore, #tpu.memory_space<semaphore_mem>>)
    %dma_wait3A = arith.constant 0 : i32
    %dma_wait3A_10 = arith.constant 0 : i32
    %dma_wait3A_11 = tpu.memref_slice %arg7[%dma_wait3A, %dma_wait3A_10] : memref<256x256xf32, #tpu.memory_space<vmem>> -> memref<128x256xf32, #tpu.memory_space<vmem>>
    %dma_wait3A_12 = arith.constant 0 : i32
    %dma_wait3A_13 = tpu.memref_slice %arg6[%dma_wait3A_12] : memref<256xi32, #tpu.memory_space<vmem>> -> memref<128xi32, #tpu.memory_space<vmem>>
    %dma_wait3A_14 = arith.constant 0 : i32
    %dma_wait3A_15 = arith.constant 0 : i32
    %dma_wait3A_16 = tpu.memref_slice %arg2[%dma_wait3A_14, %dma_wait3A_15] : memref<8192x256xf32, #tpu.memory_space<hbm>> -> memref<8192x256xf32, #tpu.memory_space<hbm>>
    tpu.wait_indirect_dma semaphore(%arg8 : memref<!tpu.dma_semaphore, #tpu.memory_space<semaphore_mem>>) src(%dma_wait3A_16 : memref<8192x256xf32, #tpu.memory_space<hbm>>) dst(%dma_wait3A_11 : memref<128x256xf32, #tpu.memory_space<vmem>>)
    %dma_start3A_17 = arith.constant 128 : i32
    %dma_start3A_18 = arith.constant 0 : i32
    %dma_start3A_19 = tpu.memref_slice %arg7[%dma_start3A_17, %dma_start3A_18] : memref<256x256xf32, #tpu.memory_space<vmem>> -> memref<128x256xf32, #tpu.memory_space<vmem>>
    %dma_start3A_20 = arith.constant 128 : i32
    %dma_start3A_21 = tpu.memref_slice %arg6[%dma_start3A_20] : memref<256xi32, #tpu.memory_space<vmem>> -> memref<128xi32, #tpu.memory_space<vmem>>
    %dma_start3A_22 = arith.constant 0 : i32
    %dma_start3A_23 = arith.constant 0 : i32
    %dma_start3A_24 = tpu.memref_slice %arg2[%dma_start3A_22, %dma_start3A_23] : memref<8192x256xf32, #tpu.memory_space<hbm>> -> memref<8192x256xf32, #tpu.memory_space<hbm>>
    tpu.enqueue_indirect_dma source(%dma_start3A_24 : memref<8192x256xf32, #tpu.memory_space<hbm>>) target(%dma_start3A_19 : memref<128x256xf32, #tpu.memory_space<vmem>>) offsets(%dma_start3A_21 : memref<128xi32, #tpu.memory_space<vmem>>) semaphore(%arg8 : memref<!tpu.dma_semaphore, #tpu.memory_space<semaphore_mem>>)
    %dma_wait3A_25 = arith.constant 128 : i32
    %dma_wait3A_26 = arith.constant 0 : i32
    %dma_wait3A_27 = tpu.memref_slice %arg7[%dma_wait3A_25, %dma_wait3A_26] : memref<256x256xf32, #tpu.memory_space<vmem>> -> memref<128x256xf32, #tpu.memory_space<vmem>>
    %dma_wait3A_28 = arith.constant 128 : i32
    %dma_wait3A_29 = tpu.memref_slice %arg6[%dma_wait3A_28] : memref<256xi32, #tpu.memory_space<vmem>> -> memref<128xi32, #tpu.memory_space<vmem>>
    %dma_wait3A_30 = arith.constant 0 : i32
    %dma_wait3A_31 = arith.constant 0 : i32
    %dma_wait3A_32 = tpu.memref_slice %arg2[%dma_wait3A_30, %dma_wait3A_31] : memref<8192x256xf32, #tpu.memory_space<hbm>> -> memref<8192x256xf32, #tpu.memory_space<hbm>>
    tpu.wait_indirect_dma semaphore(%arg8 : memref<!tpu.dma_semaphore, #tpu.memory_space<semaphore_mem>>) src(%dma_wait3A_32 : memref<8192x256xf32, #tpu.memory_space<hbm>>) dst(%dma_wait3A_27 : memref<128x256xf32, #tpu.memory_space<vmem>>)
    "tpu.region"() ({
      %run_scoped3A = tpu.sem_alloc : memref<!tpu.dma_semaphore, #tpu.memory_space<semaphore_mem>>
      %dma_start3A_33 = arith.constant 0 : i32
      %dma_start3A_34 = tpu.memref_slice %arg4[%mul3A_2, %dma_start3A_33] : memref<8192x256xf32, #tpu.memory_space<hbm>> -> memref<256x256xf32, #tpu.memory_space<hbm>>
      %dma_start3A_35 = arith.constant 0 : i32
      %dma_start3A_36 = tpu.memref_slice %arg4[%mul3A_2, %dma_start3A_35] : memref<8192x256xf32, #tpu.memory_space<hbm>> -> memref<256x256xf32, #tpu.memory_space<hbm>>
      tpu.enqueue_dma source(%arg7 : memref<256x256xf32, #tpu.memory_space<vmem>>) target(%dma_start3A_36 : memref<256x256xf32, #tpu.memory_space<hbm>>) target_semaphore(%run_scoped3A : memref<!tpu.dma_semaphore, #tpu.memory_space<semaphore_mem>>)
      %dma_wait3A_37 = arith.constant 0 : i32
      %dma_wait3A_38 = tpu.memref_slice %arg4[%mul3A_2, %dma_wait3A_37] : memref<8192x256xf32, #tpu.memory_space<hbm>> -> memref<256x256xf32, #tpu.memory_space<hbm>>
      %dma_wait3A_39 = arith.constant 0 : i32
      %dma_wait3A_40 = tpu.memref_slice %arg4[%mul3A_2, %dma_wait3A_39] : memref<8192x256xf32, #tpu.memory_space<hbm>> -> memref<256x256xf32, #tpu.memory_space<hbm>>
      tpu.wait_dma2 semaphore(%run_scoped3A : memref<!tpu.dma_semaphore, #tpu.memory_space<semaphore_mem>>) src(%arg7 : memref<256x256xf32, #tpu.memory_space<vmem>>) dst(%dma_wait3A_40 : memref<256x256xf32, #tpu.memory_space<hbm>>)
      tpu.yield
    }) : () -> ()
    "tpu.region"() ({
      %run_scoped3A = tpu.sem_alloc : memref<!tpu.dma_semaphore, #tpu.memory_space<semaphore_mem>>
      %dma_start3A_33 = arith.constant 0 : i32
      %dma_start3A_34 = tpu.memref_slice %arg5[%mul3A_2, %dma_start3A_33] : memref<8192x256xf32, #tpu.memory_space<hbm>> -> memref<256x256xf32, #tpu.memory_space<hbm>>
      %dma_start3A_35 = arith.constant 0 : i32
      %dma_start3A_36 = tpu.memref_slice %arg5[%mul3A_2, %dma_start3A_35] : memref<8192x256xf32, #tpu.memory_space<hbm>> -> memref<256x256xf32, #tpu.memory_space<hbm>>
      tpu.enqueue_dma source(%arg7 : memref<256x256xf32, #tpu.memory_space<vmem>>) target(%dma_start3A_36 : memref<256x256xf32, #tpu.memory_space<hbm>>) target_semaphore(%run_scoped3A : memref<!tpu.dma_semaphore, #tpu.memory_space<semaphore_mem>>)
      %dma_wait3A_37 = arith.constant 0 : i32
      %dma_wait3A_38 = tpu.memref_slice %arg5[%mul3A_2, %dma_wait3A_37] : memref<8192x256xf32, #tpu.memory_space<hbm>> -> memref<256x256xf32, #tpu.memory_space<hbm>>
      %dma_wait3A_39 = arith.constant 0 : i32
      %dma_wait3A_40 = tpu.memref_slice %arg5[%mul3A_2, %dma_wait3A_39] : memref<8192x256xf32, #tpu.memory_space<hbm>> -> memref<256x256xf32, #tpu.memory_space<hbm>>
      tpu.wait_dma2 semaphore(%run_scoped3A : memref<!tpu.dma_semaphore, #tpu.memory_space<semaphore_mem>>) src(%arg7 : memref<256x256xf32, #tpu.memory_space<vmem>>) dst(%dma_wait3A_40 : memref<256x256xf32, #tpu.memory_space<hbm>>)
      tpu.yield
    }) : () -> ()
    return
  }
}

module attributes {stable_mosaic.version = 14 : i64} {
  func.func @_q_kernel(%arg0: i32, %arg1: memref<1024x256xf32, #tpu.memory_space<vmem>>, %arg2: memref<4x1024x16xf32, #tpu.memory_space<vmem>>, %arg3: memref<256x112xf32, #tpu.memory_space<vmem>>, %arg4: memref<112x80xf32, #tpu.memory_space<vmem>>, %arg5: memref<1024x192xf32, #tpu.memory_space<vmem>>) attributes {dimension_semantics = [#tpu.dimension_semantics<arbitrary>], iteration_bounds = array<i64: 8>, scalar_prefetch = 0 : i64, scratch_operands = 0 : i64, tpu.core_type = #tpu.core_type<tc>, window_params = [{transform_indices = @transform_0, window_bounds = array<i64: 1024, 256>}, {transform_indices = @transform_1, window_bounds = array<i64: 4, 1024, 16>}, {pipeline_mode = #tpu.pipeline_mode<synchronous>, transform_indices = @transform_2, window_bounds = array<i64: 256, 112>}, {pipeline_mode = #tpu.pipeline_mode<synchronous>, transform_indices = @transform_3, window_bounds = array<i64: 112, 80>}, {transform_indices = @transform_4, window_bounds = array<i64: 1024, 192>}]} {
    %get3A = arith.constant 0 : index
    %get3A_0 = arith.constant 0 : index
    %get3A_1 = vector.load %arg1[%get3A, %get3A_0] : memref<1024x256xf32, #tpu.memory_space<vmem>>, vector<1024x256xf32>
    %get3A_2 = arith.constant 0 : index
    %get3A_3 = arith.constant 0 : index
    %get3A_4 = vector.load %arg3[%get3A_2, %get3A_3] : memref<256x112xf32, #tpu.memory_space<vmem>>, vector<256x112xf32>
    %dot_general3A = arith.constant dense<0.000000e+00> : vector<1024x112xf32>
    %dot_general3A_5 = tpu.matmul %get3A_1, %get3A_4, %dot_general3A {dimension_numbers = #tpu.dot_dimension_numbers<[1], [0], [0], [1], [0, 0, 1, 1], [], []>, transpose_lhs_hint = false} : vector<1024x256xf32>, vector<256x112xf32>, vector<1024x112xf32> -> vector<1024x112xf32>
    %swap3A = arith.constant 0 : index
    %swap3A_6 = arith.constant 0 : index
    %swap3A_7 = vector.load %arg5[%swap3A, %swap3A_6] : memref<1024x192xf32, #tpu.memory_space<vmem>>, vector<1024x112xf32>
    tpu.vector_store %arg5[%swap3A, %swap3A_6], %dot_general3A_5 {strides = array<i32>} : memref<1024x192xf32, #tpu.memory_space<vmem>>, vector<1024x112xf32>,
    %get3A_8 = arith.constant 0 : index
    %get3A_9 = arith.constant 0 : index
    %get3A_10 = arith.constant 0 : index
    %get3A_11 = vector.load %arg2[%get3A_8, %get3A_9, %get3A_10] : memref<4x1024x16xf32, #tpu.memory_space<vmem>>, vector<1x1024x16xf32>
    %get3A_12 = vector.shape_cast %get3A_11 : vector<1x1024x16xf32> to vector<1024x16xf32>
    %get3A_13 = arith.constant 1 : index
    %get3A_14 = arith.constant 0 : index
    %get3A_15 = arith.constant 0 : index
    %get3A_16 = vector.load %arg2[%get3A_13, %get3A_14, %get3A_15] : memref<4x1024x16xf32, #tpu.memory_space<vmem>>, vector<1x1024x16xf32>
    %get3A_17 = vector.shape_cast %get3A_16 : vector<1x1024x16xf32> to vector<1024x16xf32>
    %get3A_18 = arith.constant 2 : index
    %get3A_19 = arith.constant 0 : index
    %get3A_20 = arith.constant 0 : index
    %get3A_21 = vector.load %arg2[%get3A_18, %get3A_19, %get3A_20] : memref<4x1024x16xf32, #tpu.memory_space<vmem>>, vector<1x1024x16xf32>
    %get3A_22 = vector.shape_cast %get3A_21 : vector<1x1024x16xf32> to vector<1024x16xf32>
    %get3A_23 = arith.constant 3 : index
    %get3A_24 = arith.constant 0 : index
    %get3A_25 = arith.constant 0 : index
    %get3A_26 = vector.load %arg2[%get3A_23, %get3A_24, %get3A_25] : memref<4x1024x16xf32, #tpu.memory_space<vmem>>, vector<1x1024x16xf32>
    %get3A_27 = vector.shape_cast %get3A_26 : vector<1x1024x16xf32> to vector<1024x16xf32>
    %mul3A = arith.mulf %get3A_27, %get3A_27 : vector<1024x16xf32>
    %add3A = arith.constant 1.000000e-03 : f32
    %add3A_28 = vector.broadcast %add3A : f32 to vector<1024x16xf32>
    %add3A_29 = arith.addf %mul3A, %add3A_28 : vector<1024x16xf32>
    %div3A = arith.divf %get3A_27, %add3A_29 : vector<1024x16xf32>
    %mul3A_30 = arith.mulf %get3A_12, %div3A : vector<1024x16xf32>
    %mul3A_31 = arith.mulf %get3A_17, %div3A : vector<1024x16xf32>
    %mul3A_32 = arith.mulf %get3A_22, %div3A : vector<1024x16xf32>
    %mul3A_33 = arith.mulf %get3A_27, %div3A : vector<1024x16xf32>
    %mul3A_34 = arith.mulf %mul3A_30, %mul3A_30 : vector<1024x16xf32>
    %mul3A_35 = arith.mulf %mul3A_31, %mul3A_31 : vector<1024x16xf32>
    %mul3A_36 = arith.mulf %mul3A_32, %mul3A_32 : vector<1024x16xf32>
    %mul3A_37 = arith.mulf %mul3A_33, %mul3A_33 : vector<1024x16xf32>
    %mul3A_38 = arith.mulf %mul3A_30, %mul3A_33 : vector<1024x16xf32>
    %mul3A_39 = arith.mulf %mul3A_31, %mul3A_33 : vector<1024x16xf32>
    %mul3A_40 = arith.mulf %mul3A_32, %mul3A_33 : vector<1024x16xf32>
    %concatenate3A = tpu.concatenate %mul3A_34, %mul3A_35, %mul3A_36, %mul3A_37, %mul3A_38, %mul3A_39, %mul3A_40 in 1 : vector<1024x16xf32>, vector<1024x16xf32>, vector<1024x16xf32>, vector<1024x16xf32>, vector<1024x16xf32>, vector<1024x16xf32>, vector<1024x16xf32> -> vector<1024x112xf32>
    %get3A_41 = arith.constant 0 : index
    %get3A_42 = arith.constant 0 : index
    %get3A_43 = vector.load %arg4[%get3A_41, %get3A_42] : memref<112x80xf32, #tpu.memory_space<vmem>>, vector<112x80xf32>
    %dot_general3A_44 = arith.constant dense<0.000000e+00> : vector<1024x80xf32>
    %dot_general3A_45 = tpu.matmul %concatenate3A, %get3A_43, %dot_general3A_44 {dimension_numbers = #tpu.dot_dimension_numbers<[1], [0], [0], [1], [0, 0, 1, 1], [], []>, transpose_lhs_hint = false} : vector<1024x112xf32>, vector<112x80xf32>, vector<1024x80xf32> -> vector<1024x80xf32>
    %swap3A_46 = arith.constant 0 : index
    %swap3A_47 = arith.constant 112 : index
    %swap3A_48 = vector.load %arg5[%swap3A_46, %swap3A_47] : memref<1024x192xf32, #tpu.memory_space<vmem>>, vector<1024x80xf32>
    tpu.vector_store %arg5[%swap3A_46, %swap3A_47], %dot_general3A_45 {strides = array<i32>} : memref<1024x192xf32, #tpu.memory_space<vmem>>, vector<1024x80xf32>,
    return
  }
  func.func @transform_0(%arg0: i32) -> (i32, i32) {
    %c0_i32 = arith.constant 0 : i32
    %c0_i32_0 = arith.constant 0 : i32
    return %arg0, %c0_i32 : i32, i32
  }
  func.func @transform_1(%arg0: i32) -> (i32, i32, i32) {
    %c0_i32 = arith.constant 0 : i32
    %c0_i32_0 = arith.constant 0 : i32
    %c0_i32_1 = arith.constant 0 : i32
    return %c0_i32, %arg0, %c0_i32_0 : i32, i32, i32
  }
  func.func @transform_2(%arg0: i32) -> (i32, i32) {
    %c0_i32 = arith.constant 0 : i32
    %c0_i32_0 = arith.constant 0 : i32
    %c0_i32_1 = arith.constant 0 : i32
    return %c0_i32, %c0_i32_0 : i32, i32
  }
  func.func @transform_3(%arg0: i32) -> (i32, i32) {
    %c0_i32 = arith.constant 0 : i32
    %c0_i32_0 = arith.constant 0 : i32
    %c0_i32_1 = arith.constant 0 : i32
    return %c0_i32, %c0_i32_0 : i32, i32
  }
  func.func @transform_4(%arg0: i32) -> (i32, i32) {
    %c0_i32 = arith.constant 0 : i32
    %c0_i32_0 = arith.constant 0 : i32
    return %arg0, %c0_i32 : i32, i32
  }
}

module attributes {stable_mosaic.version = 14 : i64} {
  func.func @_kk_kernel(%arg0: i32, %arg1: memref<1024x256xf32, #tpu.memory_space<vmem>>, %arg2: memref<4x1024x16xf32, #tpu.memory_space<vmem>>, %arg3: memref<256x256xf32, #tpu.memory_space<vmem>>, %arg4: memref<5x16x16xf32, #tpu.memory_space<vmem>>, %arg5: memref<256x112xf32, #tpu.memory_space<vmem>>, %arg6: memref<112x80xf32, #tpu.memory_space<vmem>>, %arg7: memref<1024x256xf32, #tpu.memory_space<vmem>>, %arg8: memref<1024x192xf32, #tpu.memory_space<vmem>>) attributes {dimension_semantics = [#tpu.dimension_semantics<arbitrary>], iteration_bounds = array<i64: 8>, scalar_prefetch = 0 : i64, scratch_operands = 0 : i64, tpu.core_type = #tpu.core_type<tc>, window_params = [{transform_indices = @transform_0, window_bounds = array<i64: 1024, 256>}, {transform_indices = @transform_1, window_bounds = array<i64: 4, 1024, 16>}, {pipeline_mode = #tpu.pipeline_mode<synchronous>, transform_indices = @transform_2, window_bounds = array<i64: 256, 256>}, {pipeline_mode = #tpu.pipeline_mode<synchronous>, transform_indices = @transform_3, window_bounds = array<i64: 5, 16, 16>}, {pipeline_mode = #tpu.pipeline_mode<synchronous>, transform_indices = @transform_4, window_bounds = array<i64: 256, 112>}, {pipeline_mode = #tpu.pipeline_mode<synchronous>, transform_indices = @transform_5, window_bounds = array<i64: 112, 80>}, {transform_indices = @transform_6, window_bounds = array<i64: 1024, 256>}, {transform_indices = @transform_7, window_bounds = array<i64: 1024, 192>}]} {
    %get3A = arith.constant 0 : index
    %get3A_0 = arith.constant 0 : index
    %get3A_1 = vector.load %arg1[%get3A, %get3A_0] : memref<1024x256xf32, #tpu.memory_space<vmem>>, vector<1024x256xf32>
    %get3A_2 = arith.constant 0 : index
    %get3A_3 = arith.constant 0 : index
    %get3A_4 = vector.load %arg3[%get3A_2, %get3A_3] : memref<256x256xf32, #tpu.memory_space<vmem>>, vector<256x256xf32>
    %dot_general3A = arith.constant dense<0.000000e+00> : vector<1024x256xf32>
    %dot_general3A_5 = tpu.matmul %get3A_1, %get3A_4, %dot_general3A {dimension_numbers = #tpu.dot_dimension_numbers<[1], [0], [0], [1], [0, 0, 1, 1], [], []>, transpose_lhs_hint = false} : vector<1024x256xf32>, vector<256x256xf32>, vector<1024x256xf32> -> vector<1024x256xf32>
    %swap3A = arith.constant 0 : index
    %swap3A_6 = arith.constant 0 : index
    %swap3A_7 = vector.load %arg7[%swap3A, %swap3A_6] : memref<1024x256xf32, #tpu.memory_space<vmem>>, vector<1024x256xf32>
    tpu.vector_store %arg7[%swap3A, %swap3A_6], %dot_general3A_5 {strides = array<i32>} : memref<1024x256xf32, #tpu.memory_space<vmem>>, vector<1024x256xf32>,
    %get3A_8 = arith.constant 0 : index
    %get3A_9 = arith.constant 0 : index
    %get3A_10 = vector.load %arg5[%get3A_8, %get3A_9] : memref<256x112xf32, #tpu.memory_space<vmem>>, vector<256x112xf32>
    %dot_general3A_11 = arith.constant dense<0.000000e+00> : vector<1024x112xf32>
    %dot_general3A_12 = tpu.matmul %dot_general3A_5, %get3A_10, %dot_general3A_11 {dimension_numbers = #tpu.dot_dimension_numbers<[1], [0], [0], [1], [0, 0, 1, 1], [], []>, transpose_lhs_hint = false} : vector<1024x256xf32>, vector<256x112xf32>, vector<1024x112xf32> -> vector<1024x112xf32>
    %swap3A_13 = arith.constant 0 : index
    %swap3A_14 = arith.constant 0 : index
    %swap3A_15 = vector.load %arg8[%swap3A_13, %swap3A_14] : memref<1024x192xf32, #tpu.memory_space<vmem>>, vector<1024x112xf32>
    tpu.vector_store %arg8[%swap3A_13, %swap3A_14], %dot_general3A_12 {strides = array<i32>} : memref<1024x192xf32, #tpu.memory_space<vmem>>, vector<1024x112xf32>,
    %get3A_16 = arith.constant 0 : index
    %get3A_17 = arith.constant 0 : index
    %get3A_18 = arith.constant 0 : index
    %get3A_19 = vector.load %arg2[%get3A_16, %get3A_17, %get3A_18] : memref<4x1024x16xf32, #tpu.memory_space<vmem>>, vector<1x1024x16xf32>
    %get3A_20 = vector.shape_cast %get3A_19 : vector<1x1024x16xf32> to vector<1024x16xf32>
    %get3A_21 = arith.constant 3 : index
    %get3A_22 = arith.constant 0 : index
    %get3A_23 = arith.constant 0 : index
    %get3A_24 = vector.load %arg4[%get3A_21, %get3A_22, %get3A_23] : memref<5x16x16xf32, #tpu.memory_space<vmem>>, vector<1x16x16xf32>
    %get3A_25 = vector.shape_cast %get3A_24 : vector<1x16x16xf32> to vector<16x16xf32>
    %dot_general3A_26 = arith.constant dense<0.000000e+00> : vector<1024x16xf32>
    %dot_general3A_27 = tpu.matmul %get3A_20, %get3A_25, %dot_general3A_26 {dimension_numbers = #tpu.dot_dimension_numbers<[1], [1], [0], [0], [0, 0, 1, 0], [], []>, transpose_lhs_hint = false} : vector<1024x16xf32>, vector<16x16xf32>, vector<1024x16xf32> -> vector<1024x16xf32>
    %get3A_28 = arith.constant 1 : index
    %get3A_29 = arith.constant 0 : index
    %get3A_30 = arith.constant 0 : index
    %get3A_31 = vector.load %arg2[%get3A_28, %get3A_29, %get3A_30] : memref<4x1024x16xf32, #tpu.memory_space<vmem>>, vector<1x1024x16xf32>
    %get3A_32 = vector.shape_cast %get3A_31 : vector<1x1024x16xf32> to vector<1024x16xf32>
    %get3A_33 = arith.constant 3 : index
    %get3A_34 = arith.constant 0 : index
    %get3A_35 = arith.constant 0 : index
    %get3A_36 = vector.load %arg4[%get3A_33, %get3A_34, %get3A_35] : memref<5x16x16xf32, #tpu.memory_space<vmem>>, vector<1x16x16xf32>
    %get3A_37 = vector.shape_cast %get3A_36 : vector<1x16x16xf32> to vector<16x16xf32>
    %dot_general3A_38 = arith.constant dense<0.000000e+00> : vector<1024x16xf32>
    %dot_general3A_39 = tpu.matmul %get3A_32, %get3A_37, %dot_general3A_38 {dimension_numbers = #tpu.dot_dimension_numbers<[1], [1], [0], [0], [0, 0, 1, 0], [], []>, transpose_lhs_hint = false} : vector<1024x16xf32>, vector<16x16xf32>, vector<1024x16xf32> -> vector<1024x16xf32>
    %get3A_40 = arith.constant 2 : index
    %get3A_41 = arith.constant 0 : index
    %get3A_42 = arith.constant 0 : index
    %get3A_43 = vector.load %arg2[%get3A_40, %get3A_41, %get3A_42] : memref<4x1024x16xf32, #tpu.memory_space<vmem>>, vector<1x1024x16xf32>
    %get3A_44 = vector.shape_cast %get3A_43 : vector<1x1024x16xf32> to vector<1024x16xf32>
    %get3A_45 = arith.constant 3 : index
    %get3A_46 = arith.constant 0 : index
    %get3A_47 = arith.constant 0 : index
    %get3A_48 = vector.load %arg4[%get3A_45, %get3A_46, %get3A_47] : memref<5x16x16xf32, #tpu.memory_space<vmem>>, vector<1x16x16xf32>
    %get3A_49 = vector.shape_cast %get3A_48 : vector<1x16x16xf32> to vector<16x16xf32>
    %dot_general3A_50 = arith.constant dense<0.000000e+00> : vector<1024x16xf32>
    %dot_general3A_51 = tpu.matmul %get3A_44, %get3A_49, %dot_general3A_50 {dimension_numbers = #tpu.dot_dimension_numbers<[1], [1], [0], [0], [0, 0, 1, 0], [], []>, transpose_lhs_hint = false} : vector<1024x16xf32>, vector<16x16xf32>, vector<1024x16xf32> -> vector<1024x16xf32>
    %get3A_52 = arith.constant 3 : index
    %get3A_53 = arith.constant 0 : index
    %get3A_54 = arith.constant 0 : index
    %get3A_55 = vector.load %arg2[%get3A_52, %get3A_53, %get3A_54] : memref<4x1024x16xf32, #tpu.memory_space<vmem>>, vector<1x1024x16xf32>
    %get3A_56 = vector.shape_cast %get3A_55 : vector<1x1024x16xf32> to vector<1024x16xf32>
    %get3A_57 = arith.constant 3 : index
    %get3A_58 = arith.constant 0 : index
    %get3A_59 = arith.constant 0 : index
    %get3A_60 = vector.load %arg4[%get3A_57, %get3A_58, %get3A_59] : memref<5x16x16xf32, #tpu.memory_space<vmem>>, vector<1x16x16xf32>
    %get3A_61 = vector.shape_cast %get3A_60 : vector<1x16x16xf32> to vector<16x16xf32>
    %dot_general3A_62 = arith.constant dense<0.000000e+00> : vector<1024x16xf32>
    %dot_general3A_63 = tpu.matmul %get3A_56, %get3A_61, %dot_general3A_62 {dimension_numbers = #tpu.dot_dimension_numbers<[1], [1], [0], [0], [0, 0, 1, 0], [], []>, transpose_lhs_hint = false} : vector<1024x16xf32>, vector<16x16xf32>, vector<1024x16xf32> -> vector<1024x16xf32>
    %mul3A = arith.mulf %dot_general3A_63, %dot_general3A_63 : vector<1024x16xf32>
    %add3A = arith.constant 1.000000e-03 : f32
    %add3A_64 = vector.broadcast %add3A : f32 to vector<1024x16xf32>
    %add3A_65 = arith.addf %mul3A, %add3A_64 : vector<1024x16xf32>
    %div3A = arith.divf %dot_general3A_63, %add3A_65 : vector<1024x16xf32>
    %mul3A_66 = arith.mulf %dot_general3A_27, %div3A : vector<1024x16xf32>
    %mul3A_67 = arith.mulf %dot_general3A_39, %div3A : vector<1024x16xf32>
    %mul3A_68 = arith.mulf %dot_general3A_51, %div3A : vector<1024x16xf32>
    %mul3A_69 = arith.mulf %dot_general3A_63, %div3A : vector<1024x16xf32>
    %mul3A_70 = arith.mulf %mul3A_66, %mul3A_66 : vector<1024x16xf32>
    %mul3A_71 = arith.mulf %mul3A_67, %mul3A_67 : vector<1024x16xf32>
    %mul3A_72 = arith.mulf %mul3A_68, %mul3A_68 : vector<1024x16xf32>
    %mul3A_73 = arith.mulf %mul3A_69, %mul3A_69 : vector<1024x16xf32>
    %mul3A_74 = arith.mulf %mul3A_66, %mul3A_69 : vector<1024x16xf32>
    %mul3A_75 = arith.mulf %mul3A_67, %mul3A_69 : vector<1024x16xf32>
    %mul3A_76 = arith.mulf %mul3A_68, %mul3A_69 : vector<1024x16xf32>
    %concatenate3A = tpu.concatenate %mul3A_70, %mul3A_71, %mul3A_72, %mul3A_73, %mul3A_74, %mul3A_75, %mul3A_76 in 1 : vector<1024x16xf32>, vector<1024x16xf32>, vector<1024x16xf32>, vector<1024x16xf32>, vector<1024x16xf32>, vector<1024x16xf32>, vector<1024x16xf32> -> vector<1024x112xf32>
    %get3A_77 = arith.constant 0 : index
    %get3A_78 = arith.constant 0 : index
    %get3A_79 = vector.load %arg6[%get3A_77, %get3A_78] : memref<112x80xf32, #tpu.memory_space<vmem>>, vector<112x80xf32>
    %dot_general3A_80 = arith.constant dense<0.000000e+00> : vector<1024x80xf32>
    %dot_general3A_81 = tpu.matmul %concatenate3A, %get3A_79, %dot_general3A_80 {dimension_numbers = #tpu.dot_dimension_numbers<[1], [0], [0], [1], [0, 0, 1, 1], [], []>, transpose_lhs_hint = false} : vector<1024x112xf32>, vector<112x80xf32>, vector<1024x80xf32> -> vector<1024x80xf32>
    %swap3A_82 = arith.constant 0 : index
    %swap3A_83 = arith.constant 112 : index
    %swap3A_84 = vector.load %arg8[%swap3A_82, %swap3A_83] : memref<1024x192xf32, #tpu.memory_space<vmem>>, vector<1024x80xf32>
    tpu.vector_store %arg8[%swap3A_82, %swap3A_83], %dot_general3A_81 {strides = array<i32>} : memref<1024x192xf32, #tpu.memory_space<vmem>>, vector<1024x80xf32>,
    return
  }
  func.func @transform_0(%arg0: i32) -> (i32, i32) {
    %c0_i32 = arith.constant 0 : i32
    %c0_i32_0 = arith.constant 0 : i32
    return %arg0, %c0_i32 : i32, i32
  }
  func.func @transform_1(%arg0: i32) -> (i32, i32, i32) {
    %c0_i32 = arith.constant 0 : i32
    %c0_i32_0 = arith.constant 0 : i32
    %c0_i32_1 = arith.constant 0 : i32
    return %c0_i32, %arg0, %c0_i32_0 : i32, i32, i32
  }
  func.func @transform_2(%arg0: i32) -> (i32, i32) {
    %c0_i32 = arith.constant 0 : i32
    %c0_i32_0 = arith.constant 0 : i32
    %c0_i32_1 = arith.constant 0 : i32
    return %c0_i32, %c0_i32_0 : i32, i32
  }
  func.func @transform_3(%arg0: i32) -> (i32, i32, i32) {
    %c0_i32 = arith.constant 0 : i32
    %c0_i32_0 = arith.constant 0 : i32
    %c0_i32_1 = arith.constant 0 : i32
    %c0_i32_2 = arith.constant 0 : i32
    return %c0_i32, %c0_i32_0, %c0_i32_1 : i32, i32, i32
  }
  func.func @transform_4(%arg0: i32) -> (i32, i32) {
    %c0_i32 = arith.constant 0 : i32
    %c0_i32_0 = arith.constant 0 : i32
    %c0_i32_1 = arith.constant 0 : i32
    return %c0_i32, %c0_i32_0 : i32, i32
  }
  func.func @transform_5(%arg0: i32) -> (i32, i32) {
    %c0_i32 = arith.constant 0 : i32
    %c0_i32_0 = arith.constant 0 : i32
    %c0_i32_1 = arith.constant 0 : i32
    return %c0_i32, %c0_i32_0 : i32, i32
  }
  func.func @transform_6(%arg0: i32) -> (i32, i32) {
    %c0_i32 = arith.constant 0 : i32
    %c0_i32_0 = arith.constant 0 : i32
    return %arg0, %c0_i32 : i32, i32
  }
  func.func @transform_7(%arg0: i32) -> (i32, i32) {
    %c0_i32 = arith.constant 0 : i32
    %c0_i32_0 = arith.constant 0 : i32
    return %arg0, %c0_i32 : i32, i32
  }
}

module attributes {stable_mosaic.version = 14 : i64} {
  func.func @_dist_argmax_kernel(%arg0: i32, %arg1: i32, %arg2: memref<512x192xf32, #tpu.memory_space<vmem>>, %arg3: memref<2048x192xf32, #tpu.memory_space<vmem>>, %arg4: memref<512x1xi32, #tpu.memory_space<vmem>>, %arg5: memref<512x1xf32, #tpu.memory_space<vmem>>, %arg6: memref<512x1xi32, #tpu.memory_space<vmem>>) attributes {dimension_semantics = [#tpu.dimension_semantics<parallel>, #tpu.dimension_semantics<arbitrary>], iteration_bounds = array<i64: 16, 4>, scalar_prefetch = 0 : i64, scratch_operands = 2 : i64, tpu.core_type = #tpu.core_type<tc>, window_params = [{transform_indices = @transform_0, window_bounds = array<i64: 512, 192>}, {transform_indices = @transform_1, window_bounds = array<i64: 2048, 192>}, {transform_indices = @transform_2, window_bounds = array<i64: 512, 1>}]} {
    %get3A = arith.constant 0 : index
    %get3A_0 = arith.constant 0 : index
    %get3A_1 = vector.load %arg2[%get3A, %get3A_0] : memref<512x192xf32, #tpu.memory_space<vmem>>, vector<512x192xf32>
    %get3A_2 = arith.constant 0 : index
    %get3A_3 = arith.constant 0 : index
    %get3A_4 = vector.load %arg3[%get3A_2, %get3A_3] : memref<2048x192xf32, #tpu.memory_space<vmem>>, vector<2048x192xf32>
    %dot_general3A = arith.constant dense<0.000000e+00> : vector<512x2048xf32>
    %dot_general3A_5 = tpu.matmul %get3A_1, %get3A_4, %dot_general3A {dimension_numbers = #tpu.dot_dimension_numbers<[1], [1], [0], [0], [0, 0, 1, 0], [], []>, transpose_lhs_hint = false} : vector<512x192xf32>, vector<2048x192xf32>, vector<512x2048xf32> -> vector<512x2048xf32>
    %reduce_max3A = arith.constant dense<0xFF800000> : vector<512xf32>
    %reduce_max3A_6 = vector.multi_reduction <maximumf>, %dot_general3A_5, %reduce_max3A [1] : vector<512x2048xf32> to vector<512xf32>
    %broadcast_in_dim3A = vector.shape_cast %reduce_max3A_6 : vector<512xf32> to vector<512x1xf32>
    %iota3A = tpu.iota {dimensions = array<i32: 1>} : vector<512x2048xi32>
    %mul3A = arith.constant 2048 : i32
    %mul3A_7 = arith.muli %arg1, %mul3A : i32
    %add3A = vector.broadcast %mul3A_7 : i32 to vector<512x2048xi32>
    %add3A_8 = arith.addi %iota3A, %add3A : vector<512x2048xi32>
    %eq3A = vector.broadcast %broadcast_in_dim3A : vector<512x1xf32> to vector<512x2048xf32>
    %eq3A_9 = arith.cmpf oeq, %dot_general3A_5, %eq3A : vector<512x2048xf32>
    %jit3A = arith.constant 8192 : i32
    %broadcast_in_dim3A_10 = vector.broadcast %jit3A : i32 to vector<512x2048xi32>
    %select_n3A = arith.select %eq3A_9, %add3A_8, %broadcast_in_dim3A_10 : vector<512x2048xi1>, vector<512x2048xi32>
    %reduce_min3A = arith.constant dense<2147483647> : vector<512xi32>
    %reduce_min3A_11 = vector.multi_reduction <minsi>, %select_n3A, %reduce_min3A [1] : vector<512x2048xi32> to vector<512xi32>
    %broadcast_in_dim3A_12 = vector.shape_cast %reduce_min3A_11 : vector<512xi32> to vector<512x1xi32>
    %eq3A_13 = arith.constant 0 : i32
    %eq3A_14 = arith.cmpi eq, %arg1, %eq3A_13 : i32
    %convert_element_type3A = arith.extui %eq3A_14 : i1 to i32
    %cond3A = arith.constant 0 : i32
    %cond3A_15 = arith.cmpi ne, %convert_element_type3A, %cond3A : i32
    scf.if %cond3A_15 {
      %swap3A = arith.constant 0 : index
      %swap3A_25 = arith.constant 0 : index
      %swap3A_26 = vector.load %arg5[%swap3A, %swap3A_25] : memref<512x1xf32, #tpu.memory_space<vmem>>, vector<512x1xf32>
      tpu.vector_store %arg5[%swap3A, %swap3A_25], %broadcast_in_dim3A {strides = array<i32>} : memref<512x1xf32, #tpu.memory_space<vmem>>, vector<512x1xf32>,
      %swap3A_27 = arith.constant 0 : index
      %swap3A_28 = arith.constant 0 : index
      %swap3A_29 = vector.load %arg6[%swap3A_27, %swap3A_28] : memref<512x1xi32, #tpu.memory_space<vmem>>, vector<512x1xi32>
      tpu.vector_store %arg6[%swap3A_27, %swap3A_28], %broadcast_in_dim3A_12 {strides = array<i32>} : memref<512x1xi32, #tpu.memory_space<vmem>>, vector<512x1xi32>,
    } else {
    }
    %gt3A = arith.constant 0 : i32
    %gt3A_16 = arith.cmpi sgt, %arg1, %gt3A : i32
    %convert_element_type3A_17 = arith.extui %gt3A_16 : i1 to i32
    %cond3A_18 = arith.constant 0 : i32
    %cond3A_19 = arith.cmpi ne, %convert_element_type3A_17, %cond3A_18 : i32
    scf.if %cond3A_19 {
      %get3A_25 = arith.constant 0 : index
      %get3A_26 = arith.constant 0 : index
      %get3A_27 = vector.load %arg5[%get3A_25, %get3A_26] : memref<512x1xf32, #tpu.memory_space<vmem>>, vector<512x1xf32>
      %gt3A_28 = arith.cmpf ogt, %broadcast_in_dim3A, %get3A_27 : vector<512x1xf32>
      %get3A_29 = arith.constant 0 : index
      %get3A_30 = arith.constant 0 : index
      %get3A_31 = vector.load %arg5[%get3A_29, %get3A_30] : memref<512x1xf32, #tpu.memory_space<vmem>>, vector<512x1xf32>
      %select_n3A_32 = arith.select %gt3A_28, %broadcast_in_dim3A, %get3A_31 : vector<512x1xi1>, vector<512x1xf32>
      %swap3A = arith.constant 0 : index
      %swap3A_33 = arith.constant 0 : index
      %swap3A_34 = vector.load %arg5[%swap3A, %swap3A_33] : memref<512x1xf32, #tpu.memory_space<vmem>>, vector<512x1xf32>
      tpu.vector_store %arg5[%swap3A, %swap3A_33], %select_n3A_32 {strides = array<i32>} : memref<512x1xf32, #tpu.memory_space<vmem>>, vector<512x1xf32>,
      %get3A_35 = arith.constant 0 : index
      %get3A_36 = arith.constant 0 : index
      %get3A_37 = vector.load %arg6[%get3A_35, %get3A_36] : memref<512x1xi32, #tpu.memory_space<vmem>>, vector<512x1xi32>
      %select_n3A_38 = arith.select %gt3A_28, %broadcast_in_dim3A_12, %get3A_37 : vector<512x1xi1>, vector<512x1xi32>
      %swap3A_39 = arith.constant 0 : index
      %swap3A_40 = arith.constant 0 : index
      %swap3A_41 = vector.load %arg6[%swap3A_39, %swap3A_40] : memref<512x1xi32, #tpu.memory_space<vmem>>, vector<512x1xi32>
      tpu.vector_store %arg6[%swap3A_39, %swap3A_40], %select_n3A_38 {strides = array<i32>} : memref<512x1xi32, #tpu.memory_space<vmem>>, vector<512x1xi32>,
    } else {
    }
    %eq3A_20 = arith.constant 3 : i32
    %eq3A_21 = arith.cmpi eq, %arg1, %eq3A_20 : i32
    %convert_element_type3A_22 = arith.extui %eq3A_21 : i1 to i32
    %cond3A_23 = arith.constant 0 : i32
    %cond3A_24 = arith.cmpi ne, %convert_element_type3A_22, %cond3A_23 : i32
    scf.if %cond3A_24 {
      %get3A_25 = arith.constant 0 : index
      %get3A_26 = arith.constant 0 : index
      %get3A_27 = vector.load %arg6[%get3A_25, %get3A_26] : memref<512x1xi32, #tpu.memory_space<vmem>>, vector<512x1xi32>
      %swap3A = arith.constant 0 : index
      %swap3A_28 = arith.constant 0 : index
      %swap3A_29 = vector.load %arg4[%swap3A, %swap3A_28] : memref<512x1xi32, #tpu.memory_space<vmem>>, vector<512x1xi32>
      tpu.vector_store %arg4[%swap3A, %swap3A_28], %get3A_27 {strides = array<i32>} : memref<512x1xi32, #tpu.memory_space<vmem>>, vector<512x1xi32>,
    } else {
    }
    return
  }
  func.func @transform_0(%arg0: i32, %arg1: i32) -> (i32, i32) {
    %c0_i32 = arith.constant 0 : i32
    %c0_i32_0 = arith.constant 0 : i32
    return %arg0, %c0_i32 : i32, i32
  }
  func.func @transform_1(%arg0: i32, %arg1: i32) -> (i32, i32) {
    %c0_i32 = arith.constant 0 : i32
    %c0_i32_0 = arith.constant 0 : i32
    return %arg1, %c0_i32 : i32, i32
  }
  func.func @transform_2(%arg0: i32, %arg1: i32) -> (i32, i32) {
    %c0_i32 = arith.constant 0 : i32
    %c0_i32_0 = arith.constant 0 : i32
    return %arg0, %c0_i32 : i32, i32
  }
}

</mosaic_0001>

<sc_bundles>
// kernel: kernel.6.cloned.1.call-start
scs
__scs_entry_jumppad:
0x0: {  	(pc) =	sbr.rel $0x88, $3  }
0x1: {  	(tag) =	ssettag $0x0;
	lr =	simm.s32 $0x1  }
0x2: {  	[smem:$0x3F9E] =	sst lr;
	_ =	strace $0xD0000000  }
0x3: {  	_ = 	snop  }
0x4: {  	_ = 	snop  }
0x5: {  	_ = 	snop  }
0x6: {  	_ = 	snop  }
0x7: {  	_ = 	snop  }
__scs_overlays_trampoline_lowered:
0x8: {  	[smem:$0x3FAD] =	sst s0  }
0x9: {  	[smem:$0x3FAE] =	sst s1  }
0xa: {  	[smem:$0x3FAF] =	sst s2  }
0xb: {  	[smem:$0x3FB0] =	sst s3  }
0xc: {  	[smem:$0x3FB1] =	sst s4  }
0xd: {  	[smem:$0x3FB2] =	sst s5  }
0xe: {  	[smem:$0x3FB3] =	sst s6  }
0xf: {  	[smem:$0x3FB4] =	sst s7  }
0x10: {  	[smem:$0x3FB5] =	sst s8  }
0x11: {  	[smem:$0x3FB6] =	sst s9;
	s0 =	simm.s32 @!p0 $0x0  }
0x12: {  	s1 =	sld [smem:$0x3F9C];
	s0 =	simm.s32 @p0 $0x1  }
0x13: {  	[smem:$0x3FB7] =	sst s0;
	s0 =	simm.s32 @!p1 $0x0  }
0x14: {  	s2 =	sld [smem:$0x3F9B];
	s0 =	simm.s32 @p1 $0x1  }
0x15: {  	[smem:$0x3FB8] =	sst s0;
	s0 =	simm.s32 @!p2 $0x0  }
0x16: {  	s3 =	sld [smem:$0x3FDB];
	s0 =	simm.s32 @p2 $0x1  }
0x17: {  	s4 =	simm.s32 $0x1BF5;
	[smem:$0x3FBA] =	sst s0  }
0x18: {  	s0 =	sld [smem:$0x3F9D];
	_ =	swait.ge [sflag:s4], $0x0  }
0x19: {  	s7 =	sld [smem:$0x3F9E]  }
0x1a: {  	s8 =	sadd.s32 $0xFFFFE003, lr  }
0x1b: {  	s9 =	sadd.s32 $0xFFFFFEF7, lr;
	s5 =	simm.s32 $0xFFFFFFFF;
	p2 =	slt.u32 s8, $0xFFFFF086  }
0x1c: {  	p1 =	slt.u32 s9, $0xF7A;
	s5 =	simm.s32 @!p2 $0x0  }
0x1d: {  	s5 =	simm.s32 @p1 $0x1;
	p0 =	seq.s32 s7, s2  }
0x1e: {  	s7 =	smul.u32 @!p0 $0xF7A, s2;
	p2 =	seq.s32 @!p0 s5, $0x0  }
0x1f: {  	s9 =	smul.u32 $0xF7A, s1;
	s8 =	simm.s32 @!p0 $0x1BF5;
	p2 =	por !p2, p0  }
0x20: {  	[sflag:s8] =	ssyncset.s32 @!p0 $0xFFFFF086;
	s6 =	sadd.s32 @!p0 s3, s7;
	s7 =	simm.s32 @!p0 $0x108  }
0x21: {  	s3 =	sadd.s32 s3, s9;
	s6 =	sadd.s32 @!p0 $0x88, s6;
	s7 =	simm.s32 @p2 $0x1082  }
0x22: {  	[simem:s7], [sflag:s8] =	dma.local @!p0 [hbm:s6], $0xF7A  }
0x23: {  	s9 =	sor.u32 $0xD0000000, s2;
	s6 =	simm.s32 $0x108;
	_ =	swait.ge @!p0 [sflag:s8], $0x0  }
0x24: {  	s3 =	sadd.s32 $0x88, s3;
	s6 =	simm.s32 @!p1 $0x1082;
	[sflag:s4] =	ssyncset.s32 $0xFFFFF086  }
0x25: {  	[simem:s6], [sflag:s4] =	dma.local [hbm:s3], $0xF7A  }
0x26: {  	[smem:$0x3F9E] =	sst s1;
	(tag) =	ssettag s2;
	_ =	strace s9  }
0x27: {  	s1 =	sld [smem:$0x3FAE]  }
0x28: {  	s2 =	sld [smem:$0x3FAF]  }
0x29: {  	s4 =	sld [smem:$0x3FB1]  }
0x2a: {  	p0 =	seq.s32 s5, $0x0;
	s5 =	sld [smem:$0x3FB2]  }
0x2b: {  	s6 =	sld [smem:$0x3FB3]  }
0x2c: {  	s7 =	sld [smem:$0x3FB4]  }
0x2d: {  	s3 =	simm.s32 $0x108;
	s8 =	sld [smem:$0x3FB5]  }
0x2e: {  	s3 =	simm.s32 @!p0 $0x1082;
	s9 =	sld [smem:$0x3FB6]  }
0x2f: {  	lr =	sadd.s32 s0, s3;
	s0 =	sld [smem:$0x3FAD]  }
0x30: {  	s3 =	sld [smem:$0x3FB0]  }
0x31: {  	[smem:$0x3FB9] =	sst s10  }
0x32: {  	s10 =	sld [smem:$0x3FB7];
	_ =	sdelay $0x3  }
0x33: {  	p0 =	seq.s32 s10, $0x1;
	s10 =	sld [smem:$0x3FB9];
	_ =	sdelay $0x3  }
0x34: {  	[smem:$0x3FB9] =	sst s10  }
0x35: {  	s10 =	sld [smem:$0x3FB8];
	_ =	sdelay $0x3  }
0x36: {  	p1 =	seq.s32 s10, $0x1;
	s10 =	sld [smem:$0x3FB9];
	_ =	sdelay $0x3  }
0x37: {  	[smem:$0x3FB9] =	sst s10  }
0x38: {  	s10 =	sld [smem:$0x3FBA]  }
0x39: {  	_ = 	snop;
	(pc) =	sbr.ind lr, $3  }
0x3a: {  	_ = 	snop  }
0x3b: {  	_ = 	snop  }
0x3c: {  	p2 =	seq.s32 s10, $0x1;
	s10 =	sld [smem:$0x3FB9]  }
0x3d: {  	_ =	shalt  }
0x3e: {  	_ =	shalt  }
0x3f: {  	_ =	shalt  }
0x40: {  	_ =	shalt  }
0x41: {  	_ =	shalt  }
0x42: {  	_ =	shalt  }
0x43: {  	_ =	shalt  }
0x44: {  	_ =	shalt  }
0x45: {  	_ =	shalt  }
0x46: {  	_ =	shalt  }
0x47: {  	_ =	shalt  }
0x48: {  	_ =	shalt  }
0x49: {  	_ =	shalt  }
0x4a: {  	_ =	shalt  }
0x4b: {  	_ =	shalt  }
0x4c: {  	_ =	shalt  }
0x4d: {  	_ =	shalt  }
0x4e: {  	_ =	shalt  }
0x4f: {  	_ =	shalt  }
0x50: {  	_ =	shalt  }
0x51: {  	_ =	shalt  }
0x52: {  	_ =	shalt  }
0x53: {  	_ =	shalt  }
0x54: {  	_ =	shalt  }
0x55: {  	_ =	shalt  }
0x56: {  	_ =	shalt  }
0x57: {  	_ =	shalt  }
0x58: {  	_ =	shalt  }
0x59: {  	_ =	shalt  }
0x5a: {  	_ =	shalt  }
0x5b: {  	_ =	shalt  }
0x5c: {  	_ =	shalt  }
0x5d: {  	_ =	shalt  }
0x5e: {  	_ =	shalt  }
0x5f: {  	_ =	shalt  }
0x60: {  	_ =	shalt  }
0x61: {  	_ =	shalt  }
0x62: {  	_ =	shalt  }
0x63: {  	_ =	shalt  }
0x64: {  	_ =	shalt  }
0x65: {  	_ =	shalt  }
0x66: {  	_ =	shalt  }
0x67: {  	_ =	shalt  }
0x68: {  	_ =	shalt  }
0x69: {  	_ =	shalt  }
0x6a: {  	_ =	shalt  }
0x6b: {  	_ =	shalt  }
0x6c: {  	_ =	shalt  }
0x6d: {  	_ =	shalt  }
0x6e: {  	_ =	shalt  }
0x6f: {  	_ =	shalt  }
0x70: {  	_ =	shalt  }
0x71: {  	_ =	shalt  }
0x72: {  	_ =	shalt  }
0x73: {  	_ =	shalt  }
0x74: {  	_ =	shalt  }
0x75: {  	_ =	shalt  }
0x76: {  	_ =	shalt  }
0x77: {  	_ =	shalt  }
0x78: {  	_ =	shalt  }
0x79: {  	_ =	shalt  }
0x7a: {  	_ =	shalt  }
0x7b: {  	_ =	shalt  }
0x7c: {  	_ =	shalt  }
0x7d: {  	_ =	shalt  }
0x7e: {  	_ =	shalt  }
0x7f: {  	_ =	shalt  }
0x80: {  	_ =	shalt  }
0x81: {  	_ =	shalt  }
0x82: {  	_ =	shalt  }
0x83: {  	_ =	shalt  }
0x84: {  	_ =	shalt  }
0x85: {  	_ =	shalt  }
0x86: {  	_ =	shalt  }
0x87: {  	_ =	shalt  }
.Lfunc_end0:
.L_simem_size_0:
called_computation_lowered:
.L_overlay_start_0:
0x88: {  	s2 =	sld [smem:$0x3FD9]  }
0x89: {  	s3 =	sld [smem:$0x3FFE];
	_ =	sdelay $0x1  }
0x8a: {  	s1 =	srdreg.scid  }
0x8b: {  	s0 =	sand.u32 $0x1, s1  }
0x8c: {  	s14 =	sshll.u32 s0, $0xA;
	s2 =	sadd.s32 s3, s2  }
0x8d: {  	s2 =	sadd.s32 s2, s14  }
0x8e: {  	[smem:$0x3FC5] =	sst s2  }
0x8f: {  	_ = 	snop  }
0x90: {  	s2 =	sld [smem:$0x3FD0];
	_ =	sdelay $0x2  }
0x91: {  	s15 =	simm.s32 $0xA;
	s4 =	simm.s32 $0x10  }
0x92: {  	[smem:s4], [sflag:s15] =	dma.local [hbm:s2], $0x1  }
0x93: {  	_ =	swait.eq [sflag:s15], $0x1  }
0x94: {  	[sflag:s15] =	ssyncset.done $0x0  }
0x95: {  	s16 =	sld [smem:$0x10];
	[sflag:s15] =	ssyncadd.s32 $0xFFFFFFFF  }
0x96: {  	s17 =	sld [smem:$0x11];
	(tm) =	ssettm $0x1  }
0x97: {  	s18 =	sld [smem:$0x3FFB];
	_ =	sdelay $0x3  }
0x98: {  	_ =	strace s18  }
0x99: {  	s4 =	sld [smem:$0x3FFC];
	_ =	sdelay $0x3  }
0x9a: {  	_ =	strace s4  }
0x9b: {  	s4 =	sld [smem:$0x3FFD];
	_ =	sdelay $0x3  }
0x9c: {  	_ =	strace s4  }
0x9d: {  	_ =	strace $0x8FFFFFFF  }
0x9e: {  	s19 =	sld [smem:$0x3FDB];
	_ =	sdelay $0x1  }
0x9f: {  	s5 =	simm.s32 $_scs_section_size  }
0xa0: {  	s6 =	simm.s32 $_size__tile_overlayer_lowered;
	s7 =	simm.s32 $_tile_overlayer_lowered  }
0xa1: {  	s22 =	simm.s32 $0x1BFF;
	s21 =	sshll.u32 s7, $0x1;
	s4 =	sadd.s32 s5, s19  }
0xa2: {  	s8 =	simm.s32 $0x0;
	s20 =	sshll.u32 s6, $0x1;
	s6 =	sadd.s32 s21, s4  }
0xa3: {  	[timem:s8], [sflag:s22] =	dma.local [hbm:s6], s20  }
0xa4: {  	_ =	swait.ge [sflag:s22], s20  }
0xa5: {  	s5 =	ssub.s32 $0x0, s20;
	[sflag:s22] =	ssyncset.done $0x0  }
0xa6: {  	[sflag:s22] =	ssyncadd.s32 s5;
	_ =	sdelay $0x1  }
0xa7: {  	s23 =	simm.s32 $0x1B8B  }
0xa8: {  	_ =	swait.ge [sflag:s23], $0x1  }
0xa9: {  	[sflag:s23] =	ssyncset.done $0x0  }
0xaa: {  	s25 =	simm.s32 $0x1B8E;
	s24 =	sld [smem:$0x3FFE];
	[sflag:s23] =	ssyncadd.s32 $0xFFFFFFFF  }
0xab: {  	s26 =	simm.s32 $execute0_lowered;
	[smem:$0x3FD2] =	sst s25  }
0xac: {  	s6 =	sshll.u32 s26, $0x1;
	_ =	strace $0x80000046;
	[dreg:$0x1] =	wrdreg $0xFFFFFFFF  }
0xad: {  	s28 =	simm.s32 $_size_execute0_lowered;
	s4 =	sadd.s32 s4, s6;
	[dreg:$0x0] =	wrdreg $0x0  }
0xae: {  	s6 =	sshll.u32 s28, $0x1;
	[dreg:$0x2] =	wrdreg s4  }
0xaf: {  	[dreg:$0x3] =	wrdreg s6  }
0xb0: {  	[dreg:$0x4] =	wrdreg $0xC0  }
0xb1: {  	_ =	task [dreg:s8], $0x5FFFF  }
0xb2: {  	[dreg:$0x1] =	wrdreg $0xFFFFFFFF  }
0xb3: {  	[dreg:$0x0] =	wrdreg $0x60  }
0xb4: {  	[dreg:$0x2] =	wrdreg s17  }
0xb5: {  	[dreg:$0x3] =	wrdreg s24  }
0xb6: {  	[dreg:$0x4] =	wrdreg s16  }
0xb7: {  	[dreg:$0x5] =	wrdreg $0x9  }
0xb8: {  	_ =	task.clear_ibuf [dreg:s8], $0x6FFFF;
	_ =	strace $0x90000046  }
0xb9: {  	s29 =	simm.s32 $0x9;
	_ =	strace $0x80000048  }
0xba: {  	_ =	swait.ge [sflag:s29], $0x1  }
0xbb: {  	[sflag:s29] =	ssyncadd.s32 $0xFFFFFFFF  }
0xbc: {  	_ =	strace $0x90000048  }
0xbd: {  	_ =	sfence  }
0xbe: {  	s30 =	sld [smem:$0x0];
	_ =	sdelay $0x2  }
0xbf: {  	s31 =	sshll.u32 s1, $0xD;
	s1 =	sshrl.u32 s1, $0x2  }
0xc0: {  	s3 =	sand.u32 $0x4000, s31;
	s1 =	sadd.s32 s1, s30  }
0xc1: {  	s0 =	sor.u32 s3, s0;
	s1 =	sshll.u32 s1, $0x11  }
0xc2: {  	s0 =	sor.u32 s1, s0  }
0xc3: {  	s0 =	sadd.s32 $0x8F2B, s0  }
0xc4: {  	[sflag:s0] =	ssyncadd.remote.s32 $0x1  }
0xc5: {  	_ =	sfence.sel $0xFFFF  }
0xc6: {  	[dreg:$0x0] =	wrdreg $0xFFFFFFFF;
	(pc) =	sbr.abs _section_cstart, $3  }
0xc7: {  	[dreg:$0x1] =	wrdreg $0xFFFFFFFF  }
0xc8: {  	_ =	task.clear_ibuf [dreg:s8], $0x2FFFF;
	_ =	strace $0x9FFFFFFF  }
0xc9: {  	(tm) =	ssettm $0x7FFFFFFF  }
tec
execute0_lowered:
.L_overlay_start_1:
0x0: {  	(tag) =	ssettag $0x1  }
0x1: {  	s1 =	rddreg [dreg:$0x0]  }
0x2: {  	s2 =	srdreg.scid;
	s4 =	rddreg [dreg:$0x1]  }
0x3: {  	s0 =	stileid.u32;
	s6 =	rddreg [dreg:$0x2];
	s19 =	simm.s32 $0x900  }
0x4: {  	s20 =	simm.s32 $0x1100;
	s21 =	simm.s32 $0x1900;
	s23 =	simm.s32 $0x2100  }
0x5: {  	s24 =	simm.s32 $0x2900;
	s25 =	simm.s32 $0x3100;
	s26 =	simm.s32 $0x3900  }
0x6: {  	s8 =	simm.s32 $0x4900;
	s9 =	simm.s32 $0x5100;
	s10 =	simm.s32 $0x5900  }
0x7: {  	s11 =	simm.s32 $0x6100;
	s12 =	simm.s32 $0x6900;
	s13 =	simm.s32 $0x7100  }
0x8: {  	s14 =	simm.s32 $0x7900;
	s15 =	simm.s32 $0x1;
	s2 =	sand.u32 $0x1, s2  }
0x9: {  	s16 =	simm.s32 $0x8100;
	s3 =	sshll.u32 s0, $0x9;
	s5 =	sshll.u32 s2, $0x8  }
0xa: {  	s17 =	simm.s32 $0x8900;
	s5 =	sor.u32 s5, s3;
	s3 =	simm.s32 $0x0  }
0xb: {  	s18 =	simm.s32 $0x9100;
	s28 =	simm.s32 $0xD900;
	[smem:$0x7FF] =	sst s3  }
0xc: {  	s29 =	simm.s32 $0xE100;
	_ =	strace $0x80000047;
	[dreg:$0x7] =	wrdreg s19  }
0xd: {  	s30 =	simm.s32 $0xE900;
	s2 =	ssub.s32 $0x2, s2;
	[dreg:$0x8] =	wrdreg s20  }
0xe: {  	s31 =	simm.s32 $0xF100;
	s22 =	sshrl.u32 s2, $0x1;
	[dreg:$0x9] =	wrdreg s21  }
0xf: {  	s7 =	sshrl.u32 s5, $0x3;
	s5 =	sshll.u32 s5, $0x5;
	[dreg:$0xa] =	wrdreg s23  }
0x10: {  	s2 =	ssub.s32 s2, s22;
	s22 =	simm.s32 $0xB100;
	[dreg:$0xb] =	wrdreg s24  }
0x11: {  	s7 =	sadd.s32 s7, s4;
	s4 =	sadd.s32 s5, s4;
	[dreg:$0xc] =	wrdreg s25  }
0x12: {  	s5 =	sadd.s32 s6, s5;
	s6 =	simm.s32 $0x100;
	[dreg:$0xd] =	wrdreg s26  }
0x13: {  	s19 =	simm.s32 $0x9900;
	s20 =	simm.s32 $0xA100;
	s21 =	simm.s32 $0xA900  }
0x14: {  	s23 =	simm.s32 $0xB900;
	s24 =	simm.s32 $0xC100;
	s25 =	simm.s32 $0xC900  }
0x15: {  	v2 =	vlaneseq.u32;
	s26 =	simm.s32 $0xD100;
	s7 =	sadd.s32 $0x1800, s7;
	[dreg:$0x5] =	wrdreg s5  }
0x16: {  	vm0 =	vmmov $0xffff;
	v1 =	vshrl.u32 v2, $0x3;
	s4 =	sadd.s32 $0x1C00, s4;
	s5 =	simm.s32 $0x2;
	[dreg:$0x4] =	wrdreg s7  }
0x17: {  	v0 =	vand.u32 $0x7, v2;
	v2 =	vor.u32 $0x8, v2;
	v1 =	vmul.u32 $0x8, v1;
	[dreg:$0x6] =	wrdreg s4;
	s4 =	smax.u32 s2, $0x1;
	s2 =	simm.s32 $0xF900  }
.LBB2_1:
0x18: {  	s0 =	rddreg [dreg:$0x4]  }
0x19: {  	[tilespmem:s3], [sflag:$0x2] =	stream.linear.gather [hbm4b:s0+s3], $0x100, $0x38;
	[tilespmem:$0x10100] =	vst v63  }
0x1a: {  	_ =	swait.ge [sflag:s5], $0x100  }
0x1b: {  	[sflag:s5] =	ssyncset.done $0x0  }
0x1c: {  	[sflag:s5] =	ssyncadd.s32 $0xFFFFFF00  }
0x1d: {  	v3 =	vld [tilespmem:$0x0];
	_ =	sdelay $0x4  }
0x1e: {  	v4 =	vshll.u32 v3, $0x1  }
0x1f: {  	v3 =	vand.u32 $0x7, v3;
	v4 =	vand.u32 $0xFFFFFFF0, v4  }
0x20: {  	v3 =	vor.u32 v3, v4  }
0x21: {  	v4 =	vperm.xlane v3, v0;
	_ =	sdelay $0x1  }
0x22: {  	v3 =	vperm.xlane v3, v2;
	v4 =	vadd.s32 v1, v4;
	_ =	sdelay $0x1  }
0x23: {  	v3 =	vadd.s32 v1, v3;
	_ =	sdelay $0x2  }
0x24: {  	[tilespmem:s6], [sflag:$0x1] =	stream.indirect_vreg.gather [hbm4b:s1+s3], $0x80, v4, vm0, $0xb8;
	[tilespmem:$0x10100] =	vst v63  }
0x25: {  	s7 =	rddreg [dreg:$0x7]  }
0x26: {  	[tilespmem:s7], [sflag:$0x1] =	stream.indirect_vreg.gather [hbm4b:s1+s3], $0x80, v3, vm0, $0xb8;
	[tilespmem:$0x10100] =	vst v63  }
0x27: {  	v3 =	vld [tilespmem:$0x10];
	_ =	sdelay $0x4  }
0x28: {  	v49 =	vshll.u32 v3, $0x1  }
0x29: {  	v3 =	vand.u32 $0x7, v3;
	v4 =	vand.u32 $0xFFFFFFF0, v49  }
0x2a: {  	v3 =	vor.u32 v3, v4  }
0x2b: {  	v4 =	vperm.xlane v3, v0;
	_ =	sdelay $0x1  }
0x2c: {  	v3 =	vperm.xlane v3, v2;
	v4 =	vadd.s32 v1, v4;
	_ =	sdelay $0x1  }
0x2d: {  	v3 =	vadd.s32 v1, v3;
	_ =	sdelay $0x1  }
0x2e: {  	s0 =	rddreg [dreg:$0x8]  }
0x2f: {  	[tilespmem:s0], [sflag:$0x1] =	stream.indirect_vreg.gather [hbm4b:s1+s3], $0x80, v4, vm0, $0xb8;
	[tilespmem:$0x10100] =	vst v63  }
0x30: {  	s7 =	rddreg [dreg:$0x9]  }
0x31: {  	[tilespmem:s7], [sflag:$0x1] =	stream.indirect_vreg.gather [hbm4b:s1+s3], $0x80, v3, vm0, $0xb8;
	[tilespmem:$0x10100] =	vst v63  }
0x32: {  	v3 =	vld [tilespmem:$0x20];
	_ =	sdelay $0x4  }
0x33: {  	v50 =	vshll.u32 v3, $0x1  }
0x34: {  	v3 =	vand.u32 $0x7, v3;
	v4 =	vand.u32 $0xFFFFFFF0, v50  }
0x35: {  	v3 =	vor.u32 v3, v4  }
0x36: {  	v4 =	vperm.xlane v3, v0;
	_ =	sdelay $0x1  }
0x37: {  	v3 =	vperm.xlane v3, v2;
	v4 =	vadd.s32 v1, v4;
	_ =	sdelay $0x1  }
0x38: {  	v3 =	vadd.s32 v1, v3;
	_ =	sdelay $0x1  }
0x39: {  	s0 =	rddreg [dreg:$0xa]  }
0x3a: {  	[tilespmem:s0], [sflag:$0x1] =	stream.indirect_vreg.gather [hbm4b:s1+s3], $0x80, v4, vm0, $0xb8;
	[tilespmem:$0x10100] =	vst v63  }
0x3b: {  	s7 =	rddreg [dreg:$0xb]  }
0x3c: {  	[tilespmem:s7], [sflag:$0x1] =	stream.indirect_vreg.gather [hbm4b:s1+s3], $0x80, v3, vm0, $0xb8;
	[tilespmem:$0x10100] =	vst v63  }
0x3d: {  	v3 =	vld [tilespmem:$0x30];
	_ =	sdelay $0x4  }
0x3e: {  	v51 =	vshll.u32 v3, $0x1  }
0x3f: {  	v3 =	vand.u32 $0x7, v3;
	v4 =	vand.u32 $0xFFFFFFF0, v51  }
0x40: {  	v3 =	vor.u32 v3, v4  }
0x41: {  	v4 =	vperm.xlane v3, v0;
	_ =	sdelay $0x1  }
0x42: {  	v3 =	vperm.xlane v3, v2;
	v4 =	vadd.s32 v1, v4;
	_ =	sdelay $0x1  }
0x43: {  	v3 =	vadd.s32 v1, v3;
	_ =	sdelay $0x1  }
0x44: {  	s0 =	rddreg [dreg:$0xc]  }
0x45: {  	[tilespmem:s0], [sflag:$0x1] =	stream.indirect_vreg.gather [hbm4b:s1+s3], $0x80, v4, vm0, $0xb8;
	[tilespmem:$0x10100] =	vst v63  }
0x46: {  	s7 =	rddreg [dreg:$0xd]  }
0x47: {  	[tilespmem:s7], [sflag:$0x1] =	stream.indirect_vreg.gather [hbm4b:s1+s3], $0x80, v3, vm0, $0xb8;
	[tilespmem:$0x10100] =	vst v63  }
0x48: {  	v3 =	vld [tilespmem:$0x40];
	_ =	sdelay $0x4  }
0x49: {  	v52 =	vshll.u32 v3, $0x1  }
0x4a: {  	v3 =	vand.u32 $0x7, v3;
	v4 =	vand.u32 $0xFFFFFFF0, v52  }
0x4b: {  	v3 =	vor.u32 v3, v4  }
0x4c: {  	v4 =	vperm.xlane v3, v0;
	_ =	sdelay $0x1  }
0x4d: {  	v3 =	vperm.xlane v3, v2;
	v4 =	vadd.s32 v1, v4;
	_ =	sdelay $0x1  }
0x4e: {  	v3 =	vadd.s32 v1, v3;
	_ =	sdelay $0x1  }
0x4f: {  	s7 =	simm.s32 $0x4100  }
0x50: {  	[tilespmem:s7], [sflag:$0x1] =	stream.indirect_vreg.gather [hbm4b:s1+s3], $0x80, v4, vm0, $0xb8;
	[tilespmem:$0x10100] =	vst v63  }
0x51: {  	_ = 	snop  }
0x52: {  	[tilespmem:s8], [sflag:$0x1] =	stream.indirect_vreg.gather [hbm4b:s1+s3], $0x80, v3, vm0, $0xb8;
	[tilespmem:$0x10100] =	vst v63  }
0x53: {  	v3 =	vld [tilespmem:$0x50];
	_ =	sdelay $0x4  }
0x54: {  	v53 =	vshll.u32 v3, $0x1  }
0x55: {  	v3 =	vand.u32 $0x7, v3;
	v4 =	vand.u32 $0xFFFFFFF0, v53  }
0x56: {  	v3 =	vor.u32 v3, v4  }
0x57: {  	v4 =	vperm.xlane v3, v0;
	_ =	sdelay $0x1  }
0x58: {  	v3 =	vperm.xlane v3, v2;
	v4 =	vadd.s32 v1, v4;
	_ =	sdelay $0x1  }
0x59: {  	v3 =	vadd.s32 v1, v3;
	_ =	sdelay $0x2  }
0x5a: {  	[tilespmem:s9], [sflag:$0x1] =	stream.indirect_vreg.gather [hbm4b:s1+s3], $0x80, v4, vm0, $0xb8;
	[tilespmem:$0x10100] =	vst v63  }
0x5b: {  	_ = 	snop  }
0x5c: {  	[tilespmem:s10], [sflag:$0x1] =	stream.indirect_vreg.gather [hbm4b:s1+s3], $0x80, v3, vm0, $0xb8;
	[tilespmem:$0x10100] =	vst v63  }
0x5d: {  	v3 =	vld [tilespmem:$0x60];
	_ =	sdelay $0x4  }
0x5e: {  	v54 =	vshll.u32 v3, $0x1  }
0x5f: {  	v3 =	vand.u32 $0x7, v3;
	v4 =	vand.u32 $0xFFFFFFF0, v54  }
0x60: {  	v3 =	vor.u32 v3, v4  }
0x61: {  	v4 =	vperm.xlane v3, v0;
	_ =	sdelay $0x1  }
0x62: {  	v3 =	vperm.xlane v3, v2;
	v4 =	vadd.s32 v1, v4;
	_ =	sdelay $0x1  }
0x63: {  	v3 =	vadd.s32 v1, v3;
	_ =	sdelay $0x2  }
0x64: {  	[tilespmem:s11], [sflag:$0x1] =	stream.indirect_vreg.gather [hbm4b:s1+s3], $0x80, v4, vm0, $0xb8;
	[tilespmem:$0x10100] =	vst v63  }
0x65: {  	_ = 	snop  }
0x66: {  	[tilespmem:s12], [sflag:$0x1] =	stream.indirect_vreg.gather [hbm4b:s1+s3], $0x80, v3, vm0, $0xb8;
	[tilespmem:$0x10100] =	vst v63  }
0x67: {  	v3 =	vld [tilespmem:$0x70];
	_ =	sdelay $0x4  }
0x68: {  	v55 =	vshll.u32 v3, $0x1  }
0x69: {  	v3 =	vand.u32 $0x7, v3;
	v4 =	vand.u32 $0xFFFFFFF0, v55  }
0x6a: {  	v3 =	vor.u32 v3, v4  }
0x6b: {  	v4 =	vperm.xlane v3, v0;
	_ =	sdelay $0x1  }
0x6c: {  	v3 =	vperm.xlane v3, v2;
	v4 =	vadd.s32 v1, v4;
	_ =	sdelay $0x1  }
0x6d: {  	v3 =	vadd.s32 v1, v3;
	_ =	sdelay $0x2  }
0x6e: {  	[tilespmem:s13], [sflag:$0x1] =	stream.indirect_vreg.gather [hbm4b:s1+s3], $0x80, v4, vm0, $0xb8;
	[tilespmem:$0x10100] =	vst v63  }
0x6f: {  	_ = 	snop  }
0x70: {  	[tilespmem:s14], [sflag:$0x1] =	stream.indirect_vreg.gather [hbm4b:s1+s3], $0x80, v3, vm0, $0xb8;
	[tilespmem:$0x10100] =	vst v63  }
0x71: {  	_ =	swait.ge [sflag:s15], $0x8000  }
0x72: {  	[sflag:s15] =	ssyncset.done $0x0  }
0x73: {  	[sflag:s15] =	ssyncadd.s32 $0xFFFF8000  }
0x74: {  	v3 =	vld [tilespmem:$0x80];
	_ =	sdelay $0x4  }
0x75: {  	v56 =	vshll.u32 v3, $0x1  }
0x76: {  	v3 =	vand.u32 $0x7, v3;
	v4 =	vand.u32 $0xFFFFFFF0, v56  }
0x77: {  	v3 =	vor.u32 v3, v4  }
0x78: {  	v4 =	vperm.xlane v3, v0;
	_ =	sdelay $0x1  }
0x79: {  	v3 =	vperm.xlane v3, v2;
	v4 =	vadd.s32 v1, v4;
	_ =	sdelay $0x1  }
0x7a: {  	v3 =	vadd.s32 v1, v3;
	_ =	sdelay $0x2  }
0x7b: {  	[tilespmem:s16], [sflag:$0x1] =	stream.indirect_vreg.gather [hbm4b:s1+s3], $0x80, v4, vm0, $0xb8;
	[tilespmem:$0x10100] =	vst v63  }
0x7c: {  	_ = 	snop  }
0x7d: {  	[tilespmem:s17], [sflag:$0x1] =	stream.indirect_vreg.gather [hbm4b:s1+s3], $0x80, v3, vm0, $0xb8;
	[tilespmem:$0x10100] =	vst v63  }
0x7e: {  	v3 =	vld [tilespmem:$0x90];
	_ =	sdelay $0x4  }
0x7f: {  	v57 =	vshll.u32 v3, $0x1  }
0x80: {  	v3 =	vand.u32 $0x7, v3;
	v4 =	vand.u32 $0xFFFFFFF0, v57  }
0x81: {  	v3 =	vor.u32 v3, v4  }
0x82: {  	v4 =	vperm.xlane v3, v0;
	_ =	sdelay $0x1  }
0x83: {  	v3 =	vperm.xlane v3, v2;
	v4 =	vadd.s32 v1, v4;
	_ =	sdelay $0x1  }
0x84: {  	v3 =	vadd.s32 v1, v3;
	_ =	sdelay $0x2  }
0x85: {  	[tilespmem:s18], [sflag:$0x1] =	stream.indirect_vreg.gather [hbm4b:s1+s3], $0x80, v4, vm0, $0xb8;
	[tilespmem:$0x10100] =	vst v63  }
0x86: {  	_ = 	snop  }
0x87: {  	[tilespmem:s19], [sflag:$0x1] =	stream.indirect_vreg.gather [hbm4b:s1+s3], $0x80, v3, vm0, $0xb8;
	[tilespmem:$0x10100] =	vst v63  }
0x88: {  	v3 =	vld [tilespmem:$0xA0];
	_ =	sdelay $0x4  }
0x89: {  	v58 =	vshll.u32 v3, $0x1  }
0x8a: {  	v3 =	vand.u32 $0x7, v3;
	v4 =	vand.u32 $0xFFFFFFF0, v58  }
0x8b: {  	v3 =	vor.u32 v3, v4  }
0x8c: {  	v4 =	vperm.xlane v3, v0;
	_ =	sdelay $0x1  }
0x8d: {  	v3 =	vperm.xlane v3, v2;
	v4 =	vadd.s32 v1, v4;
	_ =	sdelay $0x1  }
0x8e: {  	v3 =	vadd.s32 v1, v3;
	_ =	sdelay $0x2  }
0x8f: {  	[tilespmem:s20], [sflag:$0x1] =	stream.indirect_vreg.gather [hbm4b:s1+s3], $0x80, v4, vm0, $0xb8;
	[tilespmem:$0x10100] =	vst v63  }
0x90: {  	_ = 	snop  }
0x91: {  	[tilespmem:s21], [sflag:$0x1] =	stream.indirect_vreg.gather [hbm4b:s1+s3], $0x80, v3, vm0, $0xb8;
	[tilespmem:$0x10100] =	vst v63  }
0x92: {  	v3 =	vld [tilespmem:$0xB0];
	_ =	sdelay $0x4  }
0x93: {  	v59 =	vshll.u32 v3, $0x1  }
0x94: {  	v3 =	vand.u32 $0x7, v3;
	v4 =	vand.u32 $0xFFFFFFF0, v59  }
0x95: {  	v3 =	vor.u32 v3, v4  }
0x96: {  	v4 =	vperm.xlane v3, v0;
	_ =	sdelay $0x1  }
0x97: {  	v3 =	vperm.xlane v3, v2;
	v4 =	vadd.s32 v1, v4;
	_ =	sdelay $0x1  }
0x98: {  	v3 =	vadd.s32 v1, v3;
	_ =	sdelay $0x2  }
0x99: {  	[tilespmem:s22], [sflag:$0x1] =	stream.indirect_vreg.gather [hbm4b:s1+s3], $0x80, v4, vm0, $0xb8;
	[tilespmem:$0x10100] =	vst v63  }
0x9a: {  	_ = 	snop  }
0x9b: {  	[tilespmem:s23], [sflag:$0x1] =	stream.indirect_vreg.gather [hbm4b:s1+s3], $0x80, v3, vm0, $0xb8;
	[tilespmem:$0x10100] =	vst v63  }
0x9c: {  	v3 =	vld [tilespmem:$0xC0];
	_ =	sdelay $0x4  }
0x9d: {  	v60 =	vshll.u32 v3, $0x1  }
0x9e: {  	v3 =	vand.u32 $0x7, v3;
	v4 =	vand.u32 $0xFFFFFFF0, v60  }
0x9f: {  	v3 =	vor.u32 v3, v4  }
0xa0: {  	v4 =	vperm.xlane v3, v0;
	_ =	sdelay $0x1  }
0xa1: {  	v3 =	vperm.xlane v3, v2;
	v4 =	vadd.s32 v1, v4;
	_ =	sdelay $0x1  }
0xa2: {  	v3 =	vadd.s32 v1, v3;
	_ =	sdelay $0x2  }
0xa3: {  	[tilespmem:s24], [sflag:$0x1] =	stream.indirect_vreg.gather [hbm4b:s1+s3], $0x80, v4, vm0, $0xb8;
	[tilespmem:$0x10100] =	vst v63  }
0xa4: {  	_ = 	snop  }
0xa5: {  	[tilespmem:s25], [sflag:$0x1] =	stream.indirect_vreg.gather [hbm4b:s1+s3], $0x80, v3, vm0, $0xb8;
	[tilespmem:$0x10100] =	vst v63  }
0xa6: {  	v3 =	vld [tilespmem:$0xD0];
	_ =	sdelay $0x4  }
0xa7: {  	v61 =	vshll.u32 v3, $0x1  }
0xa8: {  	v3 =	vand.u32 $0x7, v3;
	v4 =	vand.u32 $0xFFFFFFF0, v61  }
0xa9: {  	v3 =	vor.u32 v3, v4  }
0xaa: {  	v4 =	vperm.xlane v3, v0;
	_ =	sdelay $0x1  }
0xab: {  	v3 =	vperm.xlane v3, v2;
	v4 =	vadd.s32 v1, v4;
	_ =	sdelay $0x1  }
0xac: {  	v3 =	vadd.s32 v1, v3;
	_ =	sdelay $0x2  }
0xad: {  	[tilespmem:s26], [sflag:$0x1] =	stream.indirect_vreg.gather [hbm4b:s1+s3], $0x80, v4, vm0, $0xb8;
	[tilespmem:$0x10100] =	vst v63  }
0xae: {  	_ = 	snop  }
0xaf: {  	[tilespmem:s28], [sflag:$0x1] =	stream.indirect_vreg.gather [hbm4b:s1+s3], $0x80, v3, vm0, $0xb8;
	[tilespmem:$0x10100] =	vst v63  }
0xb0: {  	v3 =	vld [tilespmem:$0xE0];
	_ =	sdelay $0x4  }
0xb1: {  	v62 =	vshll.u32 v3, $0x1  }
0xb2: {  	v3 =	vand.u32 $0x7, v3;
	v4 =	vand.u32 $0xFFFFFFF0, v62  }
0xb3: {  	v3 =	vor.u32 v3, v4  }
0xb4: {  	v4 =	vperm.xlane v3, v0;
	_ =	sdelay $0x1  }
0xb5: {  	v3 =	vperm.xlane v3, v2;
	v4 =	vadd.s32 v1, v4;
	_ =	sdelay $0x1  }
0xb6: {  	v3 =	vadd.s32 v1, v3;
	_ =	sdelay $0x2  }
0xb7: {  	[tilespmem:s29], [sflag:$0x1] =	stream.indirect_vreg.gather [hbm4b:s1+s3], $0x80, v4, vm0, $0xb8;
	[tilespmem:$0x10100] =	vst v63  }
0xb8: {  	_ = 	snop  }
0xb9: {  	[tilespmem:s30], [sflag:$0x1] =	stream.indirect_vreg.gather [hbm4b:s1+s3], $0x80, v3, vm0, $0xb8;
	[tilespmem:$0x10100] =	vst v63  }
0xba: {  	v3 =	vld [tilespmem:$0xF0];
	_ =	sdelay $0x4  }
0xbb: {  	v63 =	vshll.u32 v3, $0x1  }
0xbc: {  	v3 =	vand.u32 $0x7, v3;
	v4 =	vand.u32 $0xFFFFFFF0, v63  }
0xbd: {  	v3 =	vor.u32 v3, v4  }
0xbe: {  	v4 =	vperm.xlane v3, v0;
	_ =	sdelay $0x1  }
0xbf: {  	v3 =	vperm.xlane v3, v2;
	v4 =	vadd.s32 v1, v4;
	_ =	sdelay $0x1  }
0xc0: {  	v3 =	vadd.s32 v1, v3;
	_ =	sdelay $0x2  }
0xc1: {  	[tilespmem:s31], [sflag:$0x1] =	stream.indirect_vreg.gather [hbm4b:s1+s3], $0x80, v4, vm0, $0xb8;
	[tilespmem:$0x10100] =	vst v63  }
0xc2: {  	_ = 	snop  }
0xc3: {  	[tilespmem:s2], [sflag:$0x1] =	stream.indirect_vreg.gather [hbm4b:s1+s3], $0x80, v3, vm0, $0xb8;
	[tilespmem:$0x10100] =	vst v63  }
0xc4: {  	_ =	swait.ge [sflag:s15], $0x8000  }
0xc5: {  	[sflag:s15] =	ssyncset.done $0x0  }
0xc6: {  	s7 =	rddreg [dreg:$0x5];
	[sflag:s15] =	ssyncadd.s32 $0xFFFF8000  }
0xc7: {  	[hbm4b:s7+s3] =	stream.linear.scatter [tilespmem:s6], [sflag:$0x2], $0x10000, $0x38;
	[tilespmem:$0x10100] =	vst v63  }
0xc8: {  	_ =	swait.ge [sflag:s5], $0x10000  }
0xc9: {  	p0 =	sne.s32 s4, $0x1;
	[sflag:s5] =	ssyncset.done $0x0  }
.Ltmp0:
0xca: {  	s7 =	rddreg [dreg:$0x6];
	[sflag:s5] =	ssyncadd.s32 $0xFFFF0000;
	(pc) =	sbr.rel @p0 .LBB2_1-.Ltmp0, $4  }
0xcb: {  	[hbm4b:s7+s3] =	stream.linear.scatter [tilespmem:s6], [sflag:$0x2], $0x10000, $0x38;
	[tilespmem:$0x10100] =	vst v63  }
0xcc: {  	_ =	swait.ge [sflag:s5], $0x10000  }
0xcd: {  	[sflag:s5] =	ssyncset.done $0x0  }
0xce: {  	s4 =	sadd.s32 $0xFFFFFFFF, s4;
	[sflag:s5] =	ssyncadd.s32 $0xFFFF0000  }
0xcf: {  	_ =	sfence.sel $0x180000  }
0xd0: {  	[bflag:$0x0] =	sbarrier.arrive $0xFFFF  }
0xd1: {  	_ =	strace $0x90000047  }
0xd2: {  	s0 =	stileid.u32;
	[bflag:$0x2] =	sbarrier.arrive $0xFFFF  }
0xd3: {  	p0 =	sne.s32 s0, $0x0;
	s0 =	rddreg [dreg:$0x3]  }
0xd4: {  	s0 =	sadd.s32 @!p0 $0x100000, s0  }
0xd5: {  	[sflag:s0] =	ssyncadd.tile.s32 @!p0 $0x1;
	_ =	shalt  }
.Lfunc_end2:
_tile_overlayer_lowered:
.L_overlay_start_2:
0xd6: {  	(tag) =	ssettag $0x2  }
0xd7: {  	s0 =	rddreg [dreg:$0x0];
	s2 =	stileid.u32  }
0xd8: {  	s1 =	rddreg [dreg:$0x1];
	p0 =	sne.s32 s2, $0x0  }
0xd9: {  	s3 =	rddreg [dreg:$0x2];
	[bflag:$0x3] =	sbarrier.arrive $0xFFFF;
	s2 =	simm.s32 @!p0 $0x1C02  }
0xda: {  	[timem:s3], [sflag:s2] =	dma.local @!p0 [hbm:s0], s1  }
0xdb: {  	s0 =	simm.s32 @!p0 $0x2  }
0xdc: {  	_ =	swait.ge @!p0 [sflag:s0], s1  }
0xdd: {  	s1 =	ssub.s32 @!p0 $0x0, s1;
	[sflag:s0] =	ssyncset.done @!p0 $0x0  }
0xde: {  	[sflag:s0] =	ssyncadd.s32 @!p0 s1  }
0xdf: {  	[bflag:$0x3] =	sbarrier.arrive $0xFFFF  }
0xe0: {  	_ =	shalt  }

</sc_bundles>
